<compile_context>
chip_gen: v7x
topology: tpu7x:2x2x1
jax: 0.10.2.dev20260603
libtpu: 0.0.44.dev20260713+nightly
codegen_flags: <defaults>
</compile_context>

<pallas_src>
import functools

import jax
import jax.numpy as jnp
from jax import lax
from jax.experimental import pallas as pl
from jax.experimental.pallas import tpu as pltpu
from jax.experimental.pallas import tpu_sc as plsc

N = 10000
E = 320000
D_IN = 128
D_HID = 32
D_OUT = 16

NC = 2
NS = 16
NW = NC * NS

CH = 128
NCH = E // CH
CPT = -(-NCH // NW)

NP = 10240
RPS = NP // NS

_mesh = plsc.VectorSubcoreMesh(core_axis_name="c", subcore_axis_name="s")


def _chunk_window(wid):
    first = wid * CPT
    chunk0 = jnp.minimum(first, NCH - CPT)
    j0 = first - chunk0
    return chunk0, j0



@functools.partial(
    pl.kernel,
    out_type=jax.ShapeDtypeStruct((NC, NP), jnp.float32),
    mesh=_mesh,
    scratch_types=[
        pltpu.VMEM((CPT, CH), jnp.int32),
        pltpu.VMEM((CH,), jnp.float32),
        pltpu.VMEM_SHARED((NP,), jnp.float32),
        pltpu.SemaphoreType.DMA,
    ],
    compiler_params=pltpu.CompilerParams(use_tc_tiling_on_sc=False),
)
def _sc_deg(z_hbm, edges_hbm, out_hbm, dst_v, ones_v, acc_sh, sem):
    c = lax.axis_index("c")
    s = lax.axis_index("s")
    wid = c * NS + s
    row0 = s * RPS
    chunk0, j0 = _chunk_window(wid)
    pltpu.sync_copy(edges_hbm.at[1, pl.ds(chunk0, CPT)], dst_v)
    for k in range(CH // 16):
        ones_v[pl.ds(k * 16, 16)] = jnp.full((16,), 1.0, jnp.float32)
    pltpu.sync_copy(z_hbm.at[pl.ds(row0, RPS)], acc_sh.at[pl.ds(row0, RPS)])
    plsc.subcore_barrier()

    def body(j, carry):
        pltpu.sync_copy(ones_v, acc_sh.at[dst_v.at[j]], add=True)
        return carry

    lax.fori_loop(j0, CPT, body, 0)
    plsc.subcore_barrier()
    pltpu.sync_copy(acc_sh.at[pl.ds(row0, RPS)], out_hbm.at[c, pl.ds(row0, RPS)])


LOOK = 4
NBUF = 2 * LOOK


@functools.partial(
    pl.kernel,
    out_type=jax.ShapeDtypeStruct((NC, NP, D_HID), jnp.float32),
    mesh=_mesh,
    scratch_types=[
        pltpu.VMEM((CPT, CH), jnp.int32),
        pltpu.VMEM((CPT, CH), jnp.int32),
        pltpu.VMEM((NBUF, CH, D_HID), jnp.float32),
        pltpu.VMEM_SHARED((NP, D_HID), jnp.float32),
        pltpu.VMEM_SHARED((NP, D_HID), jnp.float32),
        pltpu.SemaphoreType.DMA,
        pltpu.SemaphoreType.DMA,
    ],
    compiler_params=pltpu.CompilerParams(use_tc_tiling_on_sc=False),
)
def _sc_pass(g_hbm, edges_hbm, out_hbm, src_v, dst_v, rows,
             acc_sh, g_sh, gsem, ssem):
    c = lax.axis_index("c")
    s = lax.axis_index("s")
    wid = c * NS + s
    row0 = s * RPS
    chunk0, j0 = _chunk_window(wid)
    nch = CPT - j0
    pltpu.sync_copy(edges_hbm.at[0, pl.ds(chunk0, CPT)], src_v)
    pltpu.sync_copy(edges_hbm.at[1, pl.ds(chunk0, CPT)], dst_v)
    pltpu.sync_copy(g_hbm.at[pl.ds(row0, RPS)], acc_sh.at[pl.ds(row0, RPS)])
    pltpu.sync_copy(g_hbm.at[pl.ds(row0, RPS)], g_sh.at[pl.ds(row0, RPS)])
    plsc.subcore_barrier()

    def gwait():
        pltpu.make_async_copy(g_sh.at[src_v.at[0]], rows.at[0], gsem).wait()

    def swait():
        pltpu.make_async_copy(rows.at[0], acc_sh.at[dst_v.at[0]], ssem).wait()

    for k in range(LOOK):
        pltpu.async_copy(g_sh.at[src_v.at[j0 + k]], rows.at[k], gsem)

    def body(k, carry):
        @pl.when(k >= NBUF - LOOK)
        def _():
            swait()

        @pl.when(k + LOOK < nch)
        def _():
            pltpu.async_copy(g_sh.at[src_v.at[j0 + k + LOOK]],
                             rows.at[(k + LOOK) % NBUF], gsem)

        gwait()
        pltpu.async_copy(rows.at[k % NBUF], acc_sh.at[dst_v.at[j0 + k]], ssem,
                         add=True)
        return carry

    lax.fori_loop(0, nch, body, 0)
    for _ in range(NBUF - LOOK):
        swait()
    plsc.subcore_barrier()
    pltpu.sync_copy(acc_sh.at[pl.ds(row0, RPS)], out_hbm.at[c, pl.ds(row0, RPS)])



def _mm1_body(x_ref, w_ref, deg_ref, g_ref, dinv_ref):
    dinv = lax.rsqrt(deg_ref[0] + deg_ref[1] + 1.0)
    h = jnp.dot(x_ref[...], w_ref[...], preferred_element_type=jnp.float32)
    g_ref[pl.ds(0, N)] = h * dinv[:N]
    g_ref[pl.ds(N, NP - N)] = jnp.zeros((NP - N, D_HID), jnp.float32)
    dinv_ref[...] = dinv


_mm1 = pl.pallas_call(
    _mm1_body,
    out_shape=(
        jax.ShapeDtypeStruct((NP, D_HID), jnp.float32),
        jax.ShapeDtypeStruct((NP, 1), jnp.float32),
    ),
)


def _mid_body(b_ref, g1_ref, dinv_ref, bias_ref, g2_ref):
    agg = dinv_ref[...] * (b_ref[0] + b_ref[1] - g1_ref[...])
    h = jnp.maximum(agg + bias_ref[...], 0.0)
    g2_ref[...] = dinv_ref[...] * h


_mid = pl.pallas_call(
    _mid_body,
    out_shape=jax.ShapeDtypeStruct((NP, D_HID), jnp.float32),
)


def _fin_body(b_ref, g2_ref, dinv_ref, wmu_ref, bmu_ref, wls_ref, bls_ref,
              mu_ref, ls_ref):
    a = dinv_ref[...] * (b_ref[0] + b_ref[1] - g2_ref[...])
    mu_ref[...] = jnp.dot(a, wmu_ref[...], preferred_element_type=jnp.float32) + bmu_ref[...]
    ls_ref[...] = jnp.dot(a, wls_ref[...], preferred_element_type=jnp.float32) + bls_ref[...]


_fin = pl.pallas_call(
    _fin_body,
    out_shape=(
        jax.ShapeDtypeStruct((NP, D_OUT), jnp.float32),
        jax.ShapeDtypeStruct((NP, D_OUT), jnp.float32),
    ),
)



def kernel(x, edge_index, W1, b1, W_mu, b_mu, W_ls, b_ls):
    e3 = edge_index.reshape(2, NCH, CH)
    z = jnp.zeros((NP,), jnp.float32)

    deg = _sc_deg(z, e3).reshape(NC, NP, 1)
    g1, dinv = _mm1(x, W1, deg)
    b1p = _sc_pass(g1, e3)
    g2 = _mid(b1p, g1, dinv, b1.reshape(1, D_HID))
    b2p = _sc_pass(g2, e3)
    mu, ls = _fin(b2p, g2, dinv, W_mu, b_mu.reshape(1, D_OUT),
                  W_ls, b_ls.reshape(1, D_OUT))
    return mu[:N], ls[:N]

# --- scband reference (transcript-rebuilt; emitter-appended) ---
"""Pipeline reference for scband-variational-gcnencoder-23587960389989 (READ-ONLY COPY).

The authoritative reference and input builder live on the scoring server;
editing this copy changes nothing except your own understanding.
"""

import jax, jax.numpy as jnp
import numpy as np

N = 10000
E = 320000
D_IN = 128
D_HID = 32
D_OUT = 16


def gcn_conv(x, src, dst, W, b, n_nodes):
    # PyG GCNConv: linear transform, add self-loops, symmetric normalization, scatter-add aggregate, bias
    h = x @ W
    loop = jnp.arange(n_nodes, dtype=src.dtype)
    src_full = jnp.concatenate([src, loop])
    dst_full = jnp.concatenate([dst, loop])
    ew = jnp.ones(src_full.shape[0], dtype=h.dtype)
    deg = jnp.zeros((n_nodes,), dtype=h.dtype).at[dst_full].add(ew)
    deg_inv_sqrt = jnp.where(deg > 0, 1.0 / jnp.sqrt(deg), 0.0)
    norm = deg_inv_sqrt[src_full] * deg_inv_sqrt[dst_full]
    msg = h[src_full] * norm[:, None]
    out = jnp.zeros((n_nodes, h.shape[1]), dtype=h.dtype).at[dst_full].add(msg)
    return out + b


def setup_inputs(seed: int = 0) -> dict:
    key = jax.random.key(seed)
    ks = jax.random.split(key, 8)
    x = jax.random.normal(ks[0], (N, D_IN), dtype=jnp.float32)
    edge_index = jax.random.randint(ks[1], (2, E), 0, N, dtype=jnp.int32)
    W1 = jax.random.normal(ks[2], (D_IN, D_HID), dtype=jnp.float32) * (1.0 / np.sqrt(D_IN))
    b1 = jnp.zeros((D_HID,), dtype=jnp.float32)
    W_mu = jax.random.normal(ks[3], (D_HID, D_OUT), dtype=jnp.float32) * (1.0 / np.sqrt(D_HID))
    b_mu = jnp.zeros((D_OUT,), dtype=jnp.float32)
    W_ls = jax.random.normal(ks[4], (D_HID, D_OUT), dtype=jnp.float32) * (1.0 / np.sqrt(D_HID))
    b_ls = jnp.zeros((D_OUT,), dtype=jnp.float32)
    return {"x": x, "edge_index": edge_index, "W1": W1, "b1": b1, "W_mu": W_mu, "b_mu": b_mu, "W_ls": W_ls, "b_ls": b_ls}


def reference(x, edge_index, W1, b1, W_mu, b_mu, W_ls, b_ls):
    src = edge_index[0]
    dst = edge_index[1]
    n_nodes = x.shape[0]
    h = jax.nn.relu(gcn_conv(x, src, dst, W1, b1, n_nodes))
    mu = gcn_conv(h, src, dst, W_mu, b_mu, n_nodes)
    logstd = gcn_conv(h, src, dst, W_ls, b_ls, n_nodes)
    return (mu, logstd)

if __name__ == "__main__":
    import jax
    _d = setup_inputs()
    print(jax.jit(kernel)(*tuple(_d.values())))

</pallas_src>

<mosaic_0001>
#map = affine_map<(d0, d1) -> (0, 0)>
#map1 = affine_map<(d0, d1) -> (0, 0, 0)>
module attributes {stable_mosaic.version = 14 : i64} {
  func.func @_sc_pass(%arg0: i32, %arg1: i32, %arg2: memref<10240x32xf32, #tpu.memory_space<hbm>>, %arg3: memref<2x2500x128xi32, #tpu.memory_space<hbm>>, %arg4: memref<2x10240x32xf32, #tpu.memory_space<hbm>>, %arg5: memref<79x128xi32, #tpu.memory_space<vmem>>, %arg6: memref<79x128xi32, #tpu.memory_space<vmem>>, %arg7: memref<8x128x32xf32, #tpu.memory_space<vmem>>, %arg8: memref<10240x32xf32, #tpu.memory_space<vmem_shared>>, %arg9: memref<10240x32xf32, #tpu.memory_space<vmem_shared>>, %arg10: memref<!tpu.dma_semaphore, #tpu.memory_space<semaphore_mem>>, %arg11: memref<!tpu.dma_semaphore, #tpu.memory_space<semaphore_mem>>) attributes {dimension_semantics = [#tpu.dimension_semantics<core_parallel>, #tpu.dimension_semantics<subcore_parallel>], iteration_bounds = array<i64: 2, 16>, scalar_prefetch = 0 : i64, scratch_operands = 7 : i64, tpu.core_type = #tpu.core_type<sc_vector_subcore>, window_params = [{transform_indices = #map}, {transform_indices = #map1}, {transform_indices = #map1}]} {
    %mul3A = arith.constant 16 : i32
    %mul3A_0 = arith.muli %arg0, %mul3A : i32
    %add3A = arith.addi %mul3A_0, %arg1 : i32
    %mul3A_1 = arith.constant 640 : i32
    %mul3A_2 = arith.muli %arg1, %mul3A_1 : i32
    %mul3A_3 = arith.constant 79 : i32
    %mul3A_4 = arith.muli %add3A, %mul3A_3 : i32
    %min3A = arith.constant 2421 : i32
    %min3A_5 = arith.minsi %mul3A_4, %min3A : i32
    %sub3A = arith.subi %mul3A_4, %min3A_5 : i32
    %sub3A_6 = arith.constant 79 : i32
    %sub3A_7 = arith.subi %sub3A_6, %sub3A : i32
    %run_scoped3A = arith.constant 0 : i32
    "tpu.region"() ({
      %run_scoped3A_117 = tpu.sem_alloc : memref<!tpu.dma_semaphore, #tpu.memory_space<semaphore_mem>>
      %dma_start3A_118 = arith.constant 0 : i32
      %dma_start3A_119 = tpu.memref_slice %arg3[%run_scoped3A, %min3A_5, %dma_start3A_118] : memref<2x2500x128xi32, #tpu.memory_space<hbm>> -> memref<1x79x128xi32, #tpu.memory_space<hbm>>
      %dma_start3A_120 = tpu.memref_squeeze %dma_start3A_119 : memref<1x79x128xi32, #tpu.memory_space<hbm>> -> memref<79x128xi32, #tpu.memory_space<hbm>>
      %dma_start3A_121 = arith.constant 0 : i32
      %dma_start3A_122 = tpu.memref_slice %arg3[%run_scoped3A, %min3A_5, %dma_start3A_121] : memref<2x2500x128xi32, #tpu.memory_space<hbm>> -> memref<1x79x128xi32, #tpu.memory_space<hbm>>
      %dma_start3A_123 = tpu.memref_squeeze %dma_start3A_122 : memref<1x79x128xi32, #tpu.memory_space<hbm>> -> memref<79x128xi32, #tpu.memory_space<hbm>>
      tpu.enqueue_dma source(%dma_start3A_123 : memref<79x128xi32, #tpu.memory_space<hbm>>) target(%arg5 : memref<79x128xi32, #tpu.memory_space<vmem>>) target_semaphore(%run_scoped3A_117 : memref<!tpu.dma_semaphore, #tpu.memory_space<semaphore_mem>>)
      %dma_wait3A_124 = arith.constant 0 : i32
      %dma_wait3A_125 = tpu.memref_slice %arg3[%run_scoped3A, %min3A_5, %dma_wait3A_124] : memref<2x2500x128xi32, #tpu.memory_space<hbm>> -> memref<1x79x128xi32, #tpu.memory_space<hbm>>
      %dma_wait3A_126 = tpu.memref_squeeze %dma_wait3A_125 : memref<1x79x128xi32, #tpu.memory_space<hbm>> -> memref<79x128xi32, #tpu.memory_space<hbm>>
      %dma_wait3A_127 = arith.constant 0 : i32
      %dma_wait3A_128 = tpu.memref_slice %arg3[%run_scoped3A, %min3A_5, %dma_wait3A_127] : memref<2x2500x128xi32, #tpu.memory_space<hbm>> -> memref<1x79x128xi32, #tpu.memory_space<hbm>>
      %dma_wait3A_129 = tpu.memref_squeeze %dma_wait3A_128 : memref<1x79x128xi32, #tpu.memory_space<hbm>> -> memref<79x128xi32, #tpu.memory_space<hbm>>
      tpu.wait_dma2 semaphore(%run_scoped3A_117 : memref<!tpu.dma_semaphore, #tpu.memory_space<semaphore_mem>>) src(%dma_wait3A_129 : memref<79x128xi32, #tpu.memory_space<hbm>>) dst(%arg5 : memref<79x128xi32, #tpu.memory_space<vmem>>)
      tpu.yield
    }) : () -> ()
    %run_scoped3A_8 = arith.constant 1 : i32
    "tpu.region"() ({
      %run_scoped3A_117 = tpu.sem_alloc : memref<!tpu.dma_semaphore, #tpu.memory_space<semaphore_mem>>
      %dma_start3A_118 = arith.constant 0 : i32
      %dma_start3A_119 = tpu.memref_slice %arg3[%run_scoped3A_8, %min3A_5, %dma_start3A_118] : memref<2x2500x128xi32, #tpu.memory_space<hbm>> -> memref<1x79x128xi32, #tpu.memory_space<hbm>>
      %dma_start3A_120 = tpu.memref_squeeze %dma_start3A_119 : memref<1x79x128xi32, #tpu.memory_space<hbm>> -> memref<79x128xi32, #tpu.memory_space<hbm>>
      %dma_start3A_121 = arith.constant 0 : i32
      %dma_start3A_122 = tpu.memref_slice %arg3[%run_scoped3A_8, %min3A_5, %dma_start3A_121] : memref<2x2500x128xi32, #tpu.memory_space<hbm>> -> memref<1x79x128xi32, #tpu.memory_space<hbm>>
      %dma_start3A_123 = tpu.memref_squeeze %dma_start3A_122 : memref<1x79x128xi32, #tpu.memory_space<hbm>> -> memref<79x128xi32, #tpu.memory_space<hbm>>
      tpu.enqueue_dma source(%dma_start3A_123 : memref<79x128xi32, #tpu.memory_space<hbm>>) target(%arg6 : memref<79x128xi32, #tpu.memory_space<vmem>>) target_semaphore(%run_scoped3A_117 : memref<!tpu.dma_semaphore, #tpu.memory_space<semaphore_mem>>)
      %dma_wait3A_124 = arith.constant 0 : i32
      %dma_wait3A_125 = tpu.memref_slice %arg3[%run_scoped3A_8, %min3A_5, %dma_wait3A_124] : memref<2x2500x128xi32, #tpu.memory_space<hbm>> -> memref<1x79x128xi32, #tpu.memory_space<hbm>>
      %dma_wait3A_126 = tpu.memref_squeeze %dma_wait3A_125 : memref<1x79x128xi32, #tpu.memory_space<hbm>> -> memref<79x128xi32, #tpu.memory_space<hbm>>
      %dma_wait3A_127 = arith.constant 0 : i32
      %dma_wait3A_128 = tpu.memref_slice %arg3[%run_scoped3A_8, %min3A_5, %dma_wait3A_127] : memref<2x2500x128xi32, #tpu.memory_space<hbm>> -> memref<1x79x128xi32, #tpu.memory_space<hbm>>
      %dma_wait3A_129 = tpu.memref_squeeze %dma_wait3A_128 : memref<1x79x128xi32, #tpu.memory_space<hbm>> -> memref<79x128xi32, #tpu.memory_space<hbm>>
      tpu.wait_dma2 semaphore(%run_scoped3A_117 : memref<!tpu.dma_semaphore, #tpu.memory_space<semaphore_mem>>) src(%dma_wait3A_129 : memref<79x128xi32, #tpu.memory_space<hbm>>) dst(%arg6 : memref<79x128xi32, #tpu.memory_space<vmem>>)
      tpu.yield
    }) : () -> ()
    "tpu.region"() ({
      %run_scoped3A_117 = tpu.sem_alloc : memref<!tpu.dma_semaphore, #tpu.memory_space<semaphore_mem>>
      %dma_start3A_118 = arith.constant 0 : i32
      %dma_start3A_119 = tpu.memref_slice %arg8[%mul3A_2, %dma_start3A_118] : memref<10240x32xf32, #tpu.memory_space<vmem_shared>> -> memref<640x32xf32, #tpu.memory_space<vmem_shared>>
      %dma_start3A_120 = arith.constant 0 : i32
      %dma_start3A_121 = tpu.memref_slice %arg2[%mul3A_2, %dma_start3A_120] : memref<10240x32xf32, #tpu.memory_space<hbm>> -> memref<640x32xf32, #tpu.memory_space<hbm>>
      tpu.enqueue_dma source(%dma_start3A_121 : memref<640x32xf32, #tpu.memory_space<hbm>>) target(%dma_start3A_119 : memref<640x32xf32, #tpu.memory_space<vmem_shared>>) target_semaphore(%run_scoped3A_117 : memref<!tpu.dma_semaphore, #tpu.memory_space<semaphore_mem>>)
      %dma_wait3A_122 = arith.constant 0 : i32
      %dma_wait3A_123 = tpu.memref_slice %arg8[%mul3A_2, %dma_wait3A_122] : memref<10240x32xf32, #tpu.memory_space<vmem_shared>> -> memref<640x32xf32, #tpu.memory_space<vmem_shared>>
      %dma_wait3A_124 = arith.constant 0 : i32
      %dma_wait3A_125 = tpu.memref_slice %arg2[%mul3A_2, %dma_wait3A_124] : memref<10240x32xf32, #tpu.memory_space<hbm>> -> memref<640x32xf32, #tpu.memory_space<hbm>>
      tpu.wait_dma2 semaphore(%run_scoped3A_117 : memref<!tpu.dma_semaphore, #tpu.memory_space<semaphore_mem>>) src(%dma_wait3A_125 : memref<640x32xf32, #tpu.memory_space<hbm>>) dst(%dma_wait3A_123 : memref<640x32xf32, #tpu.memory_space<vmem_shared>>)
      tpu.yield
    }) : () -> ()
    "tpu.region"() ({
      %run_scoped3A_117 = tpu.sem_alloc : memref<!tpu.dma_semaphore, #tpu.memory_space<semaphore_mem>>
      %dma_start3A_118 = arith.constant 0 : i32
      %dma_start3A_119 = tpu.memref_slice %arg9[%mul3A_2, %dma_start3A_118] : memref<10240x32xf32, #tpu.memory_space<vmem_shared>> -> memref<640x32xf32, #tpu.memory_space<vmem_shared>>
      %dma_start3A_120 = arith.constant 0 : i32
      %dma_start3A_121 = tpu.memref_slice %arg2[%mul3A_2, %dma_start3A_120] : memref<10240x32xf32, #tpu.memory_space<hbm>> -> memref<640x32xf32, #tpu.memory_space<hbm>>
      tpu.enqueue_dma source(%dma_start3A_121 : memref<640x32xf32, #tpu.memory_space<hbm>>) target(%dma_start3A_119 : memref<640x32xf32, #tpu.memory_space<vmem_shared>>) target_semaphore(%run_scoped3A_117 : memref<!tpu.dma_semaphore, #tpu.memory_space<semaphore_mem>>)
      %dma_wait3A_122 = arith.constant 0 : i32
      %dma_wait3A_123 = tpu.memref_slice %arg9[%mul3A_2, %dma_wait3A_122] : memref<10240x32xf32, #tpu.memory_space<vmem_shared>> -> memref<640x32xf32, #tpu.memory_space<vmem_shared>>
      %dma_wait3A_124 = arith.constant 0 : i32
      %dma_wait3A_125 = tpu.memref_slice %arg2[%mul3A_2, %dma_wait3A_124] : memref<10240x32xf32, #tpu.memory_space<hbm>> -> memref<640x32xf32, #tpu.memory_space<hbm>>
      tpu.wait_dma2 semaphore(%run_scoped3A_117 : memref<!tpu.dma_semaphore, #tpu.memory_space<semaphore_mem>>) src(%dma_wait3A_125 : memref<640x32xf32, #tpu.memory_space<hbm>>) dst(%dma_wait3A_123 : memref<640x32xf32, #tpu.memory_space<vmem_shared>>)
      tpu.yield
    }) : () -> ()
    %barrier3A = arith.constant 0 : index
    tpu.barrier barrier_id(%barrier3A)
    %add3A_9 = arith.constant 0 : i32
    %add3A_10 = arith.addi %sub3A, %add3A_9 : i32
    %dma_start3A = arith.constant 0 : i32
    %dma_start3A_11 = arith.constant 0 : i32
    %dma_start3A_12 = arith.constant 0 : i32
    %dma_start3A_13 = tpu.memref_slice %arg7[%dma_start3A, %dma_start3A_11, %dma_start3A_12] : memref<8x128x32xf32, #tpu.memory_space<vmem>> -> memref<1x128x32xf32, #tpu.memory_space<vmem>>
    %dma_start3A_14 = tpu.memref_squeeze %dma_start3A_13 : memref<1x128x32xf32, #tpu.memory_space<vmem>> -> memref<128x32xf32, #tpu.memory_space<vmem>>
    %dma_start3A_15 = arith.constant 0 : i32
    %dma_start3A_16 = tpu.memref_slice %arg5[%add3A_10, %dma_start3A_15] : memref<79x128xi32, #tpu.memory_space<vmem>> -> memref<1x128xi32, #tpu.memory_space<vmem>>
    %dma_start3A_17 = tpu.memref_squeeze %dma_start3A_16 : memref<1x128xi32, #tpu.memory_space<vmem>> -> memref<128xi32, #tpu.memory_space<vmem>>
    %dma_start3A_18 = arith.constant 0 : i32
    %dma_start3A_19 = arith.constant 0 : i32
    %dma_start3A_20 = tpu.memref_slice %arg9[%dma_start3A_18, %dma_start3A_19] : memref<10240x32xf32, #tpu.memory_space<vmem_shared>> -> memref<10240x32xf32, #tpu.memory_space<vmem_shared>>
    tpu.enqueue_indirect_dma source(%dma_start3A_20 : memref<10240x32xf32, #tpu.memory_space<vmem_shared>>) target(%dma_start3A_14 : memref<128x32xf32, #tpu.memory_space<vmem>>) offsets(%dma_start3A_17 : memref<128xi32, #tpu.memory_space<vmem>>) semaphore(%arg10 : memref<!tpu.dma_semaphore, #tpu.memory_space<semaphore_mem>>)
    %add3A_21 = arith.constant 1 : i32
    %add3A_22 = arith.addi %sub3A, %add3A_21 : i32
    %dma_start3A_23 = arith.constant 1 : i32
    %dma_start3A_24 = arith.constant 0 : i32
    %dma_start3A_25 = arith.constant 0 : i32
    %dma_start3A_26 = tpu.memref_slice %arg7[%dma_start3A_23, %dma_start3A_24, %dma_start3A_25] : memref<8x128x32xf32, #tpu.memory_space<vmem>> -> memref<1x128x32xf32, #tpu.memory_space<vmem>>
    %dma_start3A_27 = tpu.memref_squeeze %dma_start3A_26 : memref<1x128x32xf32, #tpu.memory_space<vmem>> -> memref<128x32xf32, #tpu.memory_space<vmem>>
    %dma_start3A_28 = arith.constant 0 : i32
    %dma_start3A_29 = tpu.memref_slice %arg5[%add3A_22, %dma_start3A_28] : memref<79x128xi32, #tpu.memory_space<vmem>> -> memref<1x128xi32, #tpu.memory_space<vmem>>
    %dma_start3A_30 = tpu.memref_squeeze %dma_start3A_29 : memref<1x128xi32, #tpu.memory_space<vmem>> -> memref<128xi32, #tpu.memory_space<vmem>>
    %dma_start3A_31 = arith.constant 0 : i32
    %dma_start3A_32 = arith.constant 0 : i32
    %dma_start3A_33 = tpu.memref_slice %arg9[%dma_start3A_31, %dma_start3A_32] : memref<10240x32xf32, #tpu.memory_space<vmem_shared>> -> memref<10240x32xf32, #tpu.memory_space<vmem_shared>>
    tpu.enqueue_indirect_dma source(%dma_start3A_33 : memref<10240x32xf32, #tpu.memory_space<vmem_shared>>) target(%dma_start3A_27 : memref<128x32xf32, #tpu.memory_space<vmem>>) offsets(%dma_start3A_30 : memref<128xi32, #tpu.memory_space<vmem>>) semaphore(%arg10 : memref<!tpu.dma_semaphore, #tpu.memory_space<semaphore_mem>>)
    %add3A_34 = arith.constant 2 : i32
    %add3A_35 = arith.addi %sub3A, %add3A_34 : i32
    %dma_start3A_36 = arith.constant 2 : i32
    %dma_start3A_37 = arith.constant 0 : i32
    %dma_start3A_38 = arith.constant 0 : i32
    %dma_start3A_39 = tpu.memref_slice %arg7[%dma_start3A_36, %dma_start3A_37, %dma_start3A_38] : memref<8x128x32xf32, #tpu.memory_space<vmem>> -> memref<1x128x32xf32, #tpu.memory_space<vmem>>
    %dma_start3A_40 = tpu.memref_squeeze %dma_start3A_39 : memref<1x128x32xf32, #tpu.memory_space<vmem>> -> memref<128x32xf32, #tpu.memory_space<vmem>>
    %dma_start3A_41 = arith.constant 0 : i32
    %dma_start3A_42 = tpu.memref_slice %arg5[%add3A_35, %dma_start3A_41] : memref<79x128xi32, #tpu.memory_space<vmem>> -> memref<1x128xi32, #tpu.memory_space<vmem>>
    %dma_start3A_43 = tpu.memref_squeeze %dma_start3A_42 : memref<1x128xi32, #tpu.memory_space<vmem>> -> memref<128xi32, #tpu.memory_space<vmem>>
    %dma_start3A_44 = arith.constant 0 : i32
    %dma_start3A_45 = arith.constant 0 : i32
    %dma_start3A_46 = tpu.memref_slice %arg9[%dma_start3A_44, %dma_start3A_45] : memref<10240x32xf32, #tpu.memory_space<vmem_shared>> -> memref<10240x32xf32, #tpu.memory_space<vmem_shared>>
    tpu.enqueue_indirect_dma source(%dma_start3A_46 : memref<10240x32xf32, #tpu.memory_space<vmem_shared>>) target(%dma_start3A_40 : memref<128x32xf32, #tpu.memory_space<vmem>>) offsets(%dma_start3A_43 : memref<128xi32, #tpu.memory_space<vmem>>) semaphore(%arg10 : memref<!tpu.dma_semaphore, #tpu.memory_space<semaphore_mem>>)
    %add3A_47 = arith.constant 3 : i32
    %add3A_48 = arith.addi %sub3A, %add3A_47 : i32
    %dma_start3A_49 = arith.constant 3 : i32
    %dma_start3A_50 = arith.constant 0 : i32
    %dma_start3A_51 = arith.constant 0 : i32
    %dma_start3A_52 = tpu.memref_slice %arg7[%dma_start3A_49, %dma_start3A_50, %dma_start3A_51] : memref<8x128x32xf32, #tpu.memory_space<vmem>> -> memref<1x128x32xf32, #tpu.memory_space<vmem>>
    %dma_start3A_53 = tpu.memref_squeeze %dma_start3A_52 : memref<1x128x32xf32, #tpu.memory_space<vmem>> -> memref<128x32xf32, #tpu.memory_space<vmem>>
    %dma_start3A_54 = arith.constant 0 : i32
    %dma_start3A_55 = tpu.memref_slice %arg5[%add3A_48, %dma_start3A_54] : memref<79x128xi32, #tpu.memory_space<vmem>> -> memref<1x128xi32, #tpu.memory_space<vmem>>
    %dma_start3A_56 = tpu.memref_squeeze %dma_start3A_55 : memref<1x128xi32, #tpu.memory_space<vmem>> -> memref<128xi32, #tpu.memory_space<vmem>>
    %dma_start3A_57 = arith.constant 0 : i32
    %dma_start3A_58 = arith.constant 0 : i32
    %dma_start3A_59 = tpu.memref_slice %arg9[%dma_start3A_57, %dma_start3A_58] : memref<10240x32xf32, #tpu.memory_space<vmem_shared>> -> memref<10240x32xf32, #tpu.memory_space<vmem_shared>>
    tpu.enqueue_indirect_dma source(%dma_start3A_59 : memref<10240x32xf32, #tpu.memory_space<vmem_shared>>) target(%dma_start3A_53 : memref<128x32xf32, #tpu.memory_space<vmem>>) offsets(%dma_start3A_56 : memref<128xi32, #tpu.memory_space<vmem>>) semaphore(%arg10 : memref<!tpu.dma_semaphore, #tpu.memory_space<semaphore_mem>>)
    %while3A = arith.constant 0 : i32
    %while3A_60 = arith.constant 0 : i32
    %while3A_61 = arith.subi %sub3A_7, %while3A_60 : i32
    %while3A_62 = arith.addi %while3A_60, %while3A_61 : i32
    %while3A_63 = arith.constant 1 : i32
    %while3A_64 = arith.divsi %while3A_61, %while3A_63 : i32
    %while3A_65 = arith.muli %while3A_64, %while3A_63 : i32
    %while3A_66 = arith.addi %while3A_60, %while3A_65 : i32
    %while3A_67 = arith.constant 1 : i32
    scf.for %while3A_117 = %while3A_60 to %while3A_66 step %while3A_67  : i32 {
      %ge3A = arith.constant 4 : i32
      %ge3A_118 = arith.cmpi sge, %while3A_117, %ge3A : i32
      %convert_element_type3A = arith.extui %ge3A_118 : i1 to i32
      %cond3A = arith.constant 0 : i32
      %cond3A_119 = arith.cmpi ne, %convert_element_type3A, %cond3A : i32
      scf.if %cond3A_119 {
        %dma_wait3A_158 = arith.constant 0 : i32
        %dma_wait3A_159 = arith.constant 0 : i32
        %dma_wait3A_160 = arith.constant 0 : i32
        %dma_wait3A_161 = arith.constant 0 : i32
        %dma_wait3A_162 = tpu.memref_slice %arg7[%dma_wait3A_158, %dma_wait3A_160, %dma_wait3A_161] : memref<8x128x32xf32, #tpu.memory_space<vmem>> -> memref<1x128x32xf32, #tpu.memory_space<vmem>>
        %dma_wait3A_163 = tpu.memref_squeeze %dma_wait3A_162 : memref<1x128x32xf32, #tpu.memory_space<vmem>> -> memref<128x32xf32, #tpu.memory_space<vmem>>
        %dma_wait3A_164 = arith.constant 0 : i32
        %dma_wait3A_165 = tpu.memref_slice %arg6[%dma_wait3A_159, %dma_wait3A_164] : memref<79x128xi32, #tpu.memory_space<vmem>> -> memref<1x128xi32, #tpu.memory_space<vmem>>
        %dma_wait3A_166 = tpu.memref_squeeze %dma_wait3A_165 : memref<1x128xi32, #tpu.memory_space<vmem>> -> memref<128xi32, #tpu.memory_space<vmem>>
        %dma_wait3A_167 = arith.constant 0 : i32
        %dma_wait3A_168 = arith.constant 0 : i32
        %dma_wait3A_169 = tpu.memref_slice %arg8[%dma_wait3A_167, %dma_wait3A_168] : memref<10240x32xf32, #tpu.memory_space<vmem_shared>> -> memref<10240x32xf32, #tpu.memory_space<vmem_shared>>
        tpu.wait_indirect_dma semaphore(%arg11 : memref<!tpu.dma_semaphore, #tpu.memory_space<semaphore_mem>>) src(%dma_wait3A_163 : memref<128x32xf32, #tpu.memory_space<vmem>>) dst(%dma_wait3A_169 : memref<10240x32xf32, #tpu.memory_space<vmem_shared>>)
      } else {
      }
      %add3A_120 = arith.constant 4 : i32
      %add3A_121 = arith.addi %while3A_117, %add3A_120 : i32
      %lt3A = arith.cmpi slt, %add3A_121, %sub3A_7 : i32
      %convert_element_type3A_122 = arith.extui %lt3A : i1 to i32
      %cond3A_123 = arith.constant 0 : i32
      %cond3A_124 = arith.cmpi ne, %convert_element_type3A_122, %cond3A_123 : i32
      scf.if %cond3A_124 {
        %add3A_158 = arith.addi %sub3A, %while3A_117 : i32
        %add3A_159 = arith.constant 4 : i32
        %add3A_160 = arith.addi %add3A_158, %add3A_159 : i32
        %add3A_161 = arith.constant 4 : i32
        %add3A_162 = arith.addi %while3A_117, %add3A_161 : i32
        %jit3A_163 = arith.constant 8 : i32
        %eq3A_164 = arith.constant 0 : i32
        %eq3A_165 = arith.cmpi eq, %jit3A_163, %eq3A_164 : i32
        %jit3A_166 = arith.constant 1 : i32
        %select_n3A_167 = arith.select %eq3A_165, %jit3A_166, %jit3A_163 : i32
        %rem3A_168 = arith.remsi %add3A_162, %select_n3A_167 : i32
        %ne3A_169 = arith.constant 0 : i32
        %ne3A_170 = arith.cmpi ne, %rem3A_168, %ne3A_169 : i32
        %lt3A_171 = arith.constant 0 : i32
        %lt3A_172 = arith.cmpi slt, %rem3A_168, %lt3A_171 : i32
        %lt3A_173 = arith.constant 0 : i32
        %lt3A_174 = arith.cmpi slt, %select_n3A_167, %lt3A_173 : i32
        %ne3A_175 = arith.xori %lt3A_172, %lt3A_174 : i1
        %and3A_176 = arith.andi %ne3A_175, %ne3A_170 : i1
        %add3A_177 = arith.addi %rem3A_168, %select_n3A_167 : i32
        %select_n3A_178 = arith.select %and3A_176, %add3A_177, %rem3A_168 : i32
        %dma_start3A_179 = arith.constant 0 : i32
        %dma_start3A_180 = arith.constant 0 : i32
        %dma_start3A_181 = tpu.memref_slice %arg7[%select_n3A_178, %dma_start3A_179, %dma_start3A_180] : memref<8x128x32xf32, #tpu.memory_space<vmem>> -> memref<1x128x32xf32, #tpu.memory_space<vmem>>
        %dma_start3A_182 = tpu.memref_squeeze %dma_start3A_181 : memref<1x128x32xf32, #tpu.memory_space<vmem>> -> memref<128x32xf32, #tpu.memory_space<vmem>>
        %dma_start3A_183 = arith.constant 0 : i32
        %dma_start3A_184 = tpu.memref_slice %arg5[%add3A_160, %dma_start3A_183] : memref<79x128xi32, #tpu.memory_space<vmem>> -> memref<1x128xi32, #tpu.memory_space<vmem>>
        %dma_start3A_185 = tpu.memref_squeeze %dma_start3A_184 : memref<1x128xi32, #tpu.memory_space<vmem>> -> memref<128xi32, #tpu.memory_space<vmem>>
        %dma_start3A_186 = arith.constant 0 : i32
        %dma_start3A_187 = arith.constant 0 : i32
        %dma_start3A_188 = tpu.memref_slice %arg9[%dma_start3A_186, %dma_start3A_187] : memref<10240x32xf32, #tpu.memory_space<vmem_shared>> -> memref<10240x32xf32, #tpu.memory_space<vmem_shared>>
        tpu.enqueue_indirect_dma source(%dma_start3A_188 : memref<10240x32xf32, #tpu.memory_space<vmem_shared>>) target(%dma_start3A_182 : memref<128x32xf32, #tpu.memory_space<vmem>>) offsets(%dma_start3A_185 : memref<128xi32, #tpu.memory_space<vmem>>) semaphore(%arg10 : memref<!tpu.dma_semaphore, #tpu.memory_space<semaphore_mem>>)
      } else {
      }
      %dma_wait3A_125 = arith.constant 0 : i32
      %dma_wait3A_126 = arith.constant 0 : i32
      %dma_wait3A_127 = arith.constant 0 : i32
      %dma_wait3A_128 = arith.constant 0 : i32
      %dma_wait3A_129 = tpu.memref_slice %arg7[%dma_wait3A_126, %dma_wait3A_127, %dma_wait3A_128] : memref<8x128x32xf32, #tpu.memory_space<vmem>> -> memref<1x128x32xf32, #tpu.memory_space<vmem>>
      %dma_wait3A_130 = tpu.memref_squeeze %dma_wait3A_129 : memref<1x128x32xf32, #tpu.memory_space<vmem>> -> memref<128x32xf32, #tpu.memory_space<vmem>>
      %dma_wait3A_131 = arith.constant 0 : i32
      %dma_wait3A_132 = tpu.memref_slice %arg5[%dma_wait3A_125, %dma_wait3A_131] : memref<79x128xi32, #tpu.memory_space<vmem>> -> memref<1x128xi32, #tpu.memory_space<vmem>>
      %dma_wait3A_133 = tpu.memref_squeeze %dma_wait3A_132 : memref<1x128xi32, #tpu.memory_space<vmem>> -> memref<128xi32, #tpu.memory_space<vmem>>
      %dma_wait3A_134 = arith.constant 0 : i32
      %dma_wait3A_135 = arith.constant 0 : i32
      %dma_wait3A_136 = tpu.memref_slice %arg9[%dma_wait3A_134, %dma_wait3A_135] : memref<10240x32xf32, #tpu.memory_space<vmem_shared>> -> memref<10240x32xf32, #tpu.memory_space<vmem_shared>>
      tpu.wait_indirect_dma semaphore(%arg10 : memref<!tpu.dma_semaphore, #tpu.memory_space<semaphore_mem>>) src(%dma_wait3A_136 : memref<10240x32xf32, #tpu.memory_space<vmem_shared>>) dst(%dma_wait3A_130 : memref<128x32xf32, #tpu.memory_space<vmem>>)
      %jit3A = arith.constant 8 : i32
      %eq3A = arith.constant 0 : i32
      %eq3A_137 = arith.cmpi eq, %jit3A, %eq3A : i32
      %jit3A_138 = arith.constant 1 : i32
      %select_n3A = arith.select %eq3A_137, %jit3A_138, %jit3A : i32
      %rem3A = arith.remsi %while3A_117, %select_n3A : i32
      %ne3A = arith.constant 0 : i32
      %ne3A_139 = arith.cmpi ne, %rem3A, %ne3A : i32
      %lt3A_140 = arith.constant 0 : i32
      %lt3A_141 = arith.cmpi slt, %rem3A, %lt3A_140 : i32
      %lt3A_142 = arith.constant 0 : i32
      %lt3A_143 = arith.cmpi slt, %select_n3A, %lt3A_142 : i32
      %ne3A_144 = arith.xori %lt3A_141, %lt3A_143 : i1
      %and3A = arith.andi %ne3A_144, %ne3A_139 : i1
      %add3A_145 = arith.addi %rem3A, %select_n3A : i32
      %select_n3A_146 = arith.select %and3A, %add3A_145, %rem3A : i32
      %add3A_147 = arith.addi %sub3A, %while3A_117 : i32
      %dma_start3A_148 = arith.constant 0 : i32
      %dma_start3A_149 = arith.constant 0 : i32
      %dma_start3A_150 = tpu.memref_slice %arg7[%select_n3A_146, %dma_start3A_148, %dma_start3A_149] : memref<8x128x32xf32, #tpu.memory_space<vmem>> -> memref<1x128x32xf32, #tpu.memory_space<vmem>>
      %dma_start3A_151 = tpu.memref_squeeze %dma_start3A_150 : memref<1x128x32xf32, #tpu.memory_space<vmem>> -> memref<128x32xf32, #tpu.memory_space<vmem>>
      %dma_start3A_152 = arith.constant 0 : i32
      %dma_start3A_153 = tpu.memref_slice %arg6[%add3A_147, %dma_start3A_152] : memref<79x128xi32, #tpu.memory_space<vmem>> -> memref<1x128xi32, #tpu.memory_space<vmem>>
      %dma_start3A_154 = tpu.memref_squeeze %dma_start3A_153 : memref<1x128xi32, #tpu.memory_space<vmem>> -> memref<128xi32, #tpu.memory_space<vmem>>
      %dma_start3A_155 = arith.constant 0 : i32
      %dma_start3A_156 = arith.constant 0 : i32
      %dma_start3A_157 = tpu.memref_slice %arg8[%dma_start3A_155, %dma_start3A_156] : memref<10240x32xf32, #tpu.memory_space<vmem_shared>> -> memref<10240x32xf32, #tpu.memory_space<vmem_shared>>
      tpu.enqueue_indirect_dma source(%dma_start3A_151 : memref<128x32xf32, #tpu.memory_space<vmem>>) target(%dma_start3A_157 : memref<10240x32xf32, #tpu.memory_space<vmem_shared>>) offsets(%dma_start3A_154 : memref<128xi32, #tpu.memory_space<vmem>>) semaphore(%arg11 : memref<!tpu.dma_semaphore, #tpu.memory_space<semaphore_mem>>) {add = true}
    }
    %while3A_68 = arith.constant 1 : i32
    scf.for %while3A_117 = %while3A_66 to %while3A_62 step %while3A_68  : i32 {
      %ge3A = arith.constant 4 : i32
      %ge3A_118 = arith.cmpi sge, %while3A_117, %ge3A : i32
      %convert_element_type3A = arith.extui %ge3A_118 : i1 to i32
      %cond3A = arith.constant 0 : i32
      %cond3A_119 = arith.cmpi ne, %convert_element_type3A, %cond3A : i32
      scf.if %cond3A_119 {
        %dma_wait3A_158 = arith.constant 0 : i32
        %dma_wait3A_159 = arith.constant 0 : i32
        %dma_wait3A_160 = arith.constant 0 : i32
        %dma_wait3A_161 = arith.constant 0 : i32
        %dma_wait3A_162 = tpu.memref_slice %arg7[%dma_wait3A_158, %dma_wait3A_160, %dma_wait3A_161] : memref<8x128x32xf32, #tpu.memory_space<vmem>> -> memref<1x128x32xf32, #tpu.memory_space<vmem>>
        %dma_wait3A_163 = tpu.memref_squeeze %dma_wait3A_162 : memref<1x128x32xf32, #tpu.memory_space<vmem>> -> memref<128x32xf32, #tpu.memory_space<vmem>>
        %dma_wait3A_164 = arith.constant 0 : i32
        %dma_wait3A_165 = tpu.memref_slice %arg6[%dma_wait3A_159, %dma_wait3A_164] : memref<79x128xi32, #tpu.memory_space<vmem>> -> memref<1x128xi32, #tpu.memory_space<vmem>>
        %dma_wait3A_166 = tpu.memref_squeeze %dma_wait3A_165 : memref<1x128xi32, #tpu.memory_space<vmem>> -> memref<128xi32, #tpu.memory_space<vmem>>
        %dma_wait3A_167 = arith.constant 0 : i32
        %dma_wait3A_168 = arith.constant 0 : i32
        %dma_wait3A_169 = tpu.memref_slice %arg8[%dma_wait3A_167, %dma_wait3A_168] : memref<10240x32xf32, #tpu.memory_space<vmem_shared>> -> memref<10240x32xf32, #tpu.memory_space<vmem_shared>>
        tpu.wait_indirect_dma semaphore(%arg11 : memref<!tpu.dma_semaphore, #tpu.memory_space<semaphore_mem>>) src(%dma_wait3A_163 : memref<128x32xf32, #tpu.memory_space<vmem>>) dst(%dma_wait3A_169 : memref<10240x32xf32, #tpu.memory_space<vmem_shared>>)
      } else {
      }
      %add3A_120 = arith.constant 4 : i32
      %add3A_121 = arith.addi %while3A_117, %add3A_120 : i32
      %lt3A = arith.cmpi slt, %add3A_121, %sub3A_7 : i32
      %convert_element_type3A_122 = arith.extui %lt3A : i1 to i32
      %cond3A_123 = arith.constant 0 : i32
      %cond3A_124 = arith.cmpi ne, %convert_element_type3A_122, %cond3A_123 : i32
      scf.if %cond3A_124 {
        %add3A_158 = arith.addi %sub3A, %while3A_117 : i32
        %add3A_159 = arith.constant 4 : i32
        %add3A_160 = arith.addi %add3A_158, %add3A_159 : i32
        %add3A_161 = arith.constant 4 : i32
        %add3A_162 = arith.addi %while3A_117, %add3A_161 : i32
        %jit3A_163 = arith.constant 8 : i32
        %eq3A_164 = arith.constant 0 : i32
        %eq3A_165 = arith.cmpi eq, %jit3A_163, %eq3A_164 : i32
        %jit3A_166 = arith.constant 1 : i32
        %select_n3A_167 = arith.select %eq3A_165, %jit3A_166, %jit3A_163 : i32
        %rem3A_168 = arith.remsi %add3A_162, %select_n3A_167 : i32
        %ne3A_169 = arith.constant 0 : i32
        %ne3A_170 = arith.cmpi ne, %rem3A_168, %ne3A_169 : i32
        %lt3A_171 = arith.constant 0 : i32
        %lt3A_172 = arith.cmpi slt, %rem3A_168, %lt3A_171 : i32
        %lt3A_173 = arith.constant 0 : i32
        %lt3A_174 = arith.cmpi slt, %select_n3A_167, %lt3A_173 : i32
        %ne3A_175 = arith.xori %lt3A_172, %lt3A_174 : i1
        %and3A_176 = arith.andi %ne3A_175, %ne3A_170 : i1
        %add3A_177 = arith.addi %rem3A_168, %select_n3A_167 : i32
        %select_n3A_178 = arith.select %and3A_176, %add3A_177, %rem3A_168 : i32
        %dma_start3A_179 = arith.constant 0 : i32
        %dma_start3A_180 = arith.constant 0 : i32
        %dma_start3A_181 = tpu.memref_slice %arg7[%select_n3A_178, %dma_start3A_179, %dma_start3A_180] : memref<8x128x32xf32, #tpu.memory_space<vmem>> -> memref<1x128x32xf32, #tpu.memory_space<vmem>>
        %dma_start3A_182 = tpu.memref_squeeze %dma_start3A_181 : memref<1x128x32xf32, #tpu.memory_space<vmem>> -> memref<128x32xf32, #tpu.memory_space<vmem>>
        %dma_start3A_183 = arith.constant 0 : i32
        %dma_start3A_184 = tpu.memref_slice %arg5[%add3A_160, %dma_start3A_183] : memref<79x128xi32, #tpu.memory_space<vmem>> -> memref<1x128xi32, #tpu.memory_space<vmem>>
        %dma_start3A_185 = tpu.memref_squeeze %dma_start3A_184 : memref<1x128xi32, #tpu.memory_space<vmem>> -> memref<128xi32, #tpu.memory_space<vmem>>
        %dma_start3A_186 = arith.constant 0 : i32
        %dma_start3A_187 = arith.constant 0 : i32
        %dma_start3A_188 = tpu.memref_slice %arg9[%dma_start3A_186, %dma_start3A_187] : memref<10240x32xf32, #tpu.memory_space<vmem_shared>> -> memref<10240x32xf32, #tpu.memory_space<vmem_shared>>
        tpu.enqueue_indirect_dma source(%dma_start3A_188 : memref<10240x32xf32, #tpu.memory_space<vmem_shared>>) target(%dma_start3A_182 : memref<128x32xf32, #tpu.memory_space<vmem>>) offsets(%dma_start3A_185 : memref<128xi32, #tpu.memory_space<vmem>>) semaphore(%arg10 : memref<!tpu.dma_semaphore, #tpu.memory_space<semaphore_mem>>)
      } else {
      }
      %dma_wait3A_125 = arith.constant 0 : i32
      %dma_wait3A_126 = arith.constant 0 : i32
      %dma_wait3A_127 = arith.constant 0 : i32
      %dma_wait3A_128 = arith.constant 0 : i32
      %dma_wait3A_129 = tpu.memref_slice %arg7[%dma_wait3A_126, %dma_wait3A_127, %dma_wait3A_128] : memref<8x128x32xf32, #tpu.memory_space<vmem>> -> memref<1x128x32xf32, #tpu.memory_space<vmem>>
      %dma_wait3A_130 = tpu.memref_squeeze %dma_wait3A_129 : memref<1x128x32xf32, #tpu.memory_space<vmem>> -> memref<128x32xf32, #tpu.memory_space<vmem>>
      %dma_wait3A_131 = arith.constant 0 : i32
      %dma_wait3A_132 = tpu.memref_slice %arg5[%dma_wait3A_125, %dma_wait3A_131] : memref<79x128xi32, #tpu.memory_space<vmem>> -> memref<1x128xi32, #tpu.memory_space<vmem>>
      %dma_wait3A_133 = tpu.memref_squeeze %dma_wait3A_132 : memref<1x128xi32, #tpu.memory_space<vmem>> -> memref<128xi32, #tpu.memory_space<vmem>>
      %dma_wait3A_134 = arith.constant 0 : i32
      %dma_wait3A_135 = arith.constant 0 : i32
      %dma_wait3A_136 = tpu.memref_slice %arg9[%dma_wait3A_134, %dma_wait3A_135] : memref<10240x32xf32, #tpu.memory_space<vmem_shared>> -> memref<10240x32xf32, #tpu.memory_space<vmem_shared>>
      tpu.wait_indirect_dma semaphore(%arg10 : memref<!tpu.dma_semaphore, #tpu.memory_space<semaphore_mem>>) src(%dma_wait3A_136 : memref<10240x32xf32, #tpu.memory_space<vmem_shared>>) dst(%dma_wait3A_130 : memref<128x32xf32, #tpu.memory_space<vmem>>)
      %jit3A = arith.constant 8 : i32
      %eq3A = arith.constant 0 : i32
      %eq3A_137 = arith.cmpi eq, %jit3A, %eq3A : i32
      %jit3A_138 = arith.constant 1 : i32
      %select_n3A = arith.select %eq3A_137, %jit3A_138, %jit3A : i32
      %rem3A = arith.remsi %while3A_117, %select_n3A : i32
      %ne3A = arith.constant 0 : i32
      %ne3A_139 = arith.cmpi ne, %rem3A, %ne3A : i32
      %lt3A_140 = arith.constant 0 : i32
      %lt3A_141 = arith.cmpi slt, %rem3A, %lt3A_140 : i32
      %lt3A_142 = arith.constant 0 : i32
      %lt3A_143 = arith.cmpi slt, %select_n3A, %lt3A_142 : i32
      %ne3A_144 = arith.xori %lt3A_141, %lt3A_143 : i1
      %and3A = arith.andi %ne3A_144, %ne3A_139 : i1
      %add3A_145 = arith.addi %rem3A, %select_n3A : i32
      %select_n3A_146 = arith.select %and3A, %add3A_145, %rem3A : i32
      %add3A_147 = arith.addi %sub3A, %while3A_117 : i32
      %dma_start3A_148 = arith.constant 0 : i32
      %dma_start3A_149 = arith.constant 0 : i32
      %dma_start3A_150 = tpu.memref_slice %arg7[%select_n3A_146, %dma_start3A_148, %dma_start3A_149] : memref<8x128x32xf32, #tpu.memory_space<vmem>> -> memref<1x128x32xf32, #tpu.memory_space<vmem>>
      %dma_start3A_151 = tpu.memref_squeeze %dma_start3A_150 : memref<1x128x32xf32, #tpu.memory_space<vmem>> -> memref<128x32xf32, #tpu.memory_space<vmem>>
      %dma_start3A_152 = arith.constant 0 : i32
      %dma_start3A_153 = tpu.memref_slice %arg6[%add3A_147, %dma_start3A_152] : memref<79x128xi32, #tpu.memory_space<vmem>> -> memref<1x128xi32, #tpu.memory_space<vmem>>
      %dma_start3A_154 = tpu.memref_squeeze %dma_start3A_153 : memref<1x128xi32, #tpu.memory_space<vmem>> -> memref<128xi32, #tpu.memory_space<vmem>>
      %dma_start3A_155 = arith.constant 0 : i32
      %dma_start3A_156 = arith.constant 0 : i32
      %dma_start3A_157 = tpu.memref_slice %arg8[%dma_start3A_155, %dma_start3A_156] : memref<10240x32xf32, #tpu.memory_space<vmem_shared>> -> memref<10240x32xf32, #tpu.memory_space<vmem_shared>>
      tpu.enqueue_indirect_dma source(%dma_start3A_151 : memref<128x32xf32, #tpu.memory_space<vmem>>) target(%dma_start3A_157 : memref<10240x32xf32, #tpu.memory_space<vmem_shared>>) offsets(%dma_start3A_154 : memref<128xi32, #tpu.memory_space<vmem>>) semaphore(%arg11 : memref<!tpu.dma_semaphore, #tpu.memory_space<semaphore_mem>>) {add = true}
    }
    %dma_wait3A = arith.constant 0 : i32
    %dma_wait3A_69 = arith.constant 0 : i32
    %dma_wait3A_70 = arith.constant 0 : i32
    %dma_wait3A_71 = arith.constant 0 : i32
    %dma_wait3A_72 = tpu.memref_slice %arg7[%dma_wait3A, %dma_wait3A_70, %dma_wait3A_71] : memref<8x128x32xf32, #tpu.memory_space<vmem>> -> memref<1x128x32xf32, #tpu.memory_space<vmem>>
    %dma_wait3A_73 = tpu.memref_squeeze %dma_wait3A_72 : memref<1x128x32xf32, #tpu.memory_space<vmem>> -> memref<128x32xf32, #tpu.memory_space<vmem>>
    %dma_wait3A_74 = arith.constant 0 : i32
    %dma_wait3A_75 = tpu.memref_slice %arg6[%dma_wait3A_69, %dma_wait3A_74] : memref<79x128xi32, #tpu.memory_space<vmem>> -> memref<1x128xi32, #tpu.memory_space<vmem>>
    %dma_wait3A_76 = tpu.memref_squeeze %dma_wait3A_75 : memref<1x128xi32, #tpu.memory_space<vmem>> -> memref<128xi32, #tpu.memory_space<vmem>>
    %dma_wait3A_77 = arith.constant 0 : i32
    %dma_wait3A_78 = arith.constant 0 : i32
    %dma_wait3A_79 = tpu.memref_slice %arg8[%dma_wait3A_77, %dma_wait3A_78] : memref<10240x32xf32, #tpu.memory_space<vmem_shared>> -> memref<10240x32xf32, #tpu.memory_space<vmem_shared>>
    tpu.wait_indirect_dma semaphore(%arg11 : memref<!tpu.dma_semaphore, #tpu.memory_space<semaphore_mem>>) src(%dma_wait3A_73 : memref<128x32xf32, #tpu.memory_space<vmem>>) dst(%dma_wait3A_79 : memref<10240x32xf32, #tpu.memory_space<vmem_shared>>)
    %dma_wait3A_80 = arith.constant 0 : i32
    %dma_wait3A_81 = arith.constant 0 : i32
    %dma_wait3A_82 = arith.constant 0 : i32
    %dma_wait3A_83 = arith.constant 0 : i32
    %dma_wait3A_84 = tpu.memref_slice %arg7[%dma_wait3A_80, %dma_wait3A_82, %dma_wait3A_83] : memref<8x128x32xf32, #tpu.memory_space<vmem>> -> memref<1x128x32xf32, #tpu.memory_space<vmem>>
    %dma_wait3A_85 = tpu.memref_squeeze %dma_wait3A_84 : memref<1x128x32xf32, #tpu.memory_space<vmem>> -> memref<128x32xf32, #tpu.memory_space<vmem>>
    %dma_wait3A_86 = arith.constant 0 : i32
    %dma_wait3A_87 = tpu.memref_slice %arg6[%dma_wait3A_81, %dma_wait3A_86] : memref<79x128xi32, #tpu.memory_space<vmem>> -> memref<1x128xi32, #tpu.memory_space<vmem>>
    %dma_wait3A_88 = tpu.memref_squeeze %dma_wait3A_87 : memref<1x128xi32, #tpu.memory_space<vmem>> -> memref<128xi32, #tpu.memory_space<vmem>>
    %dma_wait3A_89 = arith.constant 0 : i32
    %dma_wait3A_90 = arith.constant 0 : i32
    %dma_wait3A_91 = tpu.memref_slice %arg8[%dma_wait3A_89, %dma_wait3A_90] : memref<10240x32xf32, #tpu.memory_space<vmem_shared>> -> memref<10240x32xf32, #tpu.memory_space<vmem_shared>>
    tpu.wait_indirect_dma semaphore(%arg11 : memref<!tpu.dma_semaphore, #tpu.memory_space<semaphore_mem>>) src(%dma_wait3A_85 : memref<128x32xf32, #tpu.memory_space<vmem>>) dst(%dma_wait3A_91 : memref<10240x32xf32, #tpu.memory_space<vmem_shared>>)
    %dma_wait3A_92 = arith.constant 0 : i32
    %dma_wait3A_93 = arith.constant 0 : i32
    %dma_wait3A_94 = arith.constant 0 : i32
    %dma_wait3A_95 = arith.constant 0 : i32
    %dma_wait3A_96 = tpu.memref_slice %arg7[%dma_wait3A_92, %dma_wait3A_94, %dma_wait3A_95] : memref<8x128x32xf32, #tpu.memory_space<vmem>> -> memref<1x128x32xf32, #tpu.memory_space<vmem>>
    %dma_wait3A_97 = tpu.memref_squeeze %dma_wait3A_96 : memref<1x128x32xf32, #tpu.memory_space<vmem>> -> memref<128x32xf32, #tpu.memory_space<vmem>>
    %dma_wait3A_98 = arith.constant 0 : i32
    %dma_wait3A_99 = tpu.memref_slice %arg6[%dma_wait3A_93, %dma_wait3A_98] : memref<79x128xi32, #tpu.memory_space<vmem>> -> memref<1x128xi32, #tpu.memory_space<vmem>>
    %dma_wait3A_100 = tpu.memref_squeeze %dma_wait3A_99 : memref<1x128xi32, #tpu.memory_space<vmem>> -> memref<128xi32, #tpu.memory_space<vmem>>
    %dma_wait3A_101 = arith.constant 0 : i32
    %dma_wait3A_102 = arith.constant 0 : i32
    %dma_wait3A_103 = tpu.memref_slice %arg8[%dma_wait3A_101, %dma_wait3A_102] : memref<10240x32xf32, #tpu.memory_space<vmem_shared>> -> memref<10240x32xf32, #tpu.memory_space<vmem_shared>>
    tpu.wait_indirect_dma semaphore(%arg11 : memref<!tpu.dma_semaphore, #tpu.memory_space<semaphore_mem>>) src(%dma_wait3A_97 : memref<128x32xf32, #tpu.memory_space<vmem>>) dst(%dma_wait3A_103 : memref<10240x32xf32, #tpu.memory_space<vmem_shared>>)
    %dma_wait3A_104 = arith.constant 0 : i32
    %dma_wait3A_105 = arith.constant 0 : i32
    %dma_wait3A_106 = arith.constant 0 : i32
    %dma_wait3A_107 = arith.constant 0 : i32
    %dma_wait3A_108 = tpu.memref_slice %arg7[%dma_wait3A_104, %dma_wait3A_106, %dma_wait3A_107] : memref<8x128x32xf32, #tpu.memory_space<vmem>> -> memref<1x128x32xf32, #tpu.memory_space<vmem>>
    %dma_wait3A_109 = tpu.memref_squeeze %dma_wait3A_108 : memref<1x128x32xf32, #tpu.memory_space<vmem>> -> memref<128x32xf32, #tpu.memory_space<vmem>>
    %dma_wait3A_110 = arith.constant 0 : i32
    %dma_wait3A_111 = tpu.memref_slice %arg6[%dma_wait3A_105, %dma_wait3A_110] : memref<79x128xi32, #tpu.memory_space<vmem>> -> memref<1x128xi32, #tpu.memory_space<vmem>>
    %dma_wait3A_112 = tpu.memref_squeeze %dma_wait3A_111 : memref<1x128xi32, #tpu.memory_space<vmem>> -> memref<128xi32, #tpu.memory_space<vmem>>
    %dma_wait3A_113 = arith.constant 0 : i32
    %dma_wait3A_114 = arith.constant 0 : i32
    %dma_wait3A_115 = tpu.memref_slice %arg8[%dma_wait3A_113, %dma_wait3A_114] : memref<10240x32xf32, #tpu.memory_space<vmem_shared>> -> memref<10240x32xf32, #tpu.memory_space<vmem_shared>>
    tpu.wait_indirect_dma semaphore(%arg11 : memref<!tpu.dma_semaphore, #tpu.memory_space<semaphore_mem>>) src(%dma_wait3A_109 : memref<128x32xf32, #tpu.memory_space<vmem>>) dst(%dma_wait3A_115 : memref<10240x32xf32, #tpu.memory_space<vmem_shared>>)
    %barrier3A_116 = arith.constant 0 : index
    tpu.barrier barrier_id(%barrier3A_116)
    "tpu.region"() ({
      %run_scoped3A_117 = tpu.sem_alloc : memref<!tpu.dma_semaphore, #tpu.memory_space<semaphore_mem>>
      %dma_start3A_118 = arith.constant 0 : i32
      %dma_start3A_119 = tpu.memref_slice %arg4[%arg0, %mul3A_2, %dma_start3A_118] : memref<2x10240x32xf32, #tpu.memory_space<hbm>> -> memref<1x640x32xf32, #tpu.memory_space<hbm>>
      %dma_start3A_120 = tpu.memref_squeeze %dma_start3A_119 : memref<1x640x32xf32, #tpu.memory_space<hbm>> -> memref<640x32xf32, #tpu.memory_space<hbm>>
      %dma_start3A_121 = arith.constant 0 : i32
      %dma_start3A_122 = tpu.memref_slice %arg8[%mul3A_2, %dma_start3A_121] : memref<10240x32xf32, #tpu.memory_space<vmem_shared>> -> memref<640x32xf32, #tpu.memory_space<vmem_shared>>
      tpu.enqueue_dma source(%dma_start3A_122 : memref<640x32xf32, #tpu.memory_space<vmem_shared>>) target(%dma_start3A_120 : memref<640x32xf32, #tpu.memory_space<hbm>>) target_semaphore(%run_scoped3A_117 : memref<!tpu.dma_semaphore, #tpu.memory_space<semaphore_mem>>)
      %dma_wait3A_123 = arith.constant 0 : i32
      %dma_wait3A_124 = tpu.memref_slice %arg4[%arg0, %mul3A_2, %dma_wait3A_123] : memref<2x10240x32xf32, #tpu.memory_space<hbm>> -> memref<1x640x32xf32, #tpu.memory_space<hbm>>
      %dma_wait3A_125 = tpu.memref_squeeze %dma_wait3A_124 : memref<1x640x32xf32, #tpu.memory_space<hbm>> -> memref<640x32xf32, #tpu.memory_space<hbm>>
      %dma_wait3A_126 = arith.constant 0 : i32
      %dma_wait3A_127 = tpu.memref_slice %arg8[%mul3A_2, %dma_wait3A_126] : memref<10240x32xf32, #tpu.memory_space<vmem_shared>> -> memref<640x32xf32, #tpu.memory_space<vmem_shared>>
      tpu.wait_dma2 semaphore(%run_scoped3A_117 : memref<!tpu.dma_semaphore, #tpu.memory_space<semaphore_mem>>) src(%dma_wait3A_127 : memref<640x32xf32, #tpu.memory_space<vmem_shared>>) dst(%dma_wait3A_125 : memref<640x32xf32, #tpu.memory_space<hbm>>)
      tpu.yield
    }) : () -> ()
    return
  }
}

#map = affine_map<(d0, d1) -> (0, 0)>
#map1 = affine_map<(d0, d1) -> (0, 0, 0)>
module attributes {stable_mosaic.version = 14 : i64} {
  func.func @_sc_pass(%arg0: i32, %arg1: i32, %arg2: memref<10240x32xf32, #tpu.memory_space<hbm>>, %arg3: memref<2x2500x128xi32, #tpu.memory_space<hbm>>, %arg4: memref<2x10240x32xf32, #tpu.memory_space<hbm>>, %arg5: memref<79x128xi32, #tpu.memory_space<vmem>>, %arg6: memref<79x128xi32, #tpu.memory_space<vmem>>, %arg7: memref<8x128x32xf32, #tpu.memory_space<vmem>>, %arg8: memref<10240x32xf32, #tpu.memory_space<vmem_shared>>, %arg9: memref<10240x32xf32, #tpu.memory_space<vmem_shared>>, %arg10: memref<!tpu.dma_semaphore, #tpu.memory_space<semaphore_mem>>, %arg11: memref<!tpu.dma_semaphore, #tpu.memory_space<semaphore_mem>>) attributes {dimension_semantics = [#tpu.dimension_semantics<core_parallel>, #tpu.dimension_semantics<subcore_parallel>], iteration_bounds = array<i64: 2, 16>, scalar_prefetch = 0 : i64, scratch_operands = 7 : i64, tpu.core_type = #tpu.core_type<sc_vector_subcore>, window_params = [{transform_indices = #map}, {transform_indices = #map1}, {transform_indices = #map1}]} {
    %mul3A = arith.constant 16 : i32
    %mul3A_0 = arith.muli %arg0, %mul3A : i32
    %add3A = arith.addi %mul3A_0, %arg1 : i32
    %mul3A_1 = arith.constant 640 : i32
    %mul3A_2 = arith.muli %arg1, %mul3A_1 : i32
    %mul3A_3 = arith.constant 79 : i32
    %mul3A_4 = arith.muli %add3A, %mul3A_3 : i32
    %min3A = arith.constant 2421 : i32
    %min3A_5 = arith.minsi %mul3A_4, %min3A : i32
    %sub3A = arith.subi %mul3A_4, %min3A_5 : i32
    %sub3A_6 = arith.constant 79 : i32
    %sub3A_7 = arith.subi %sub3A_6, %sub3A : i32
    %run_scoped3A = arith.constant 0 : i32
    "tpu.region"() ({
      %run_scoped3A_117 = tpu.sem_alloc : memref<!tpu.dma_semaphore, #tpu.memory_space<semaphore_mem>>
      %dma_start3A_118 = arith.constant 0 : i32
      %dma_start3A_119 = tpu.memref_slice %arg3[%run_scoped3A, %min3A_5, %dma_start3A_118] : memref<2x2500x128xi32, #tpu.memory_space<hbm>> -> memref<1x79x128xi32, #tpu.memory_space<hbm>>
      %dma_start3A_120 = tpu.memref_squeeze %dma_start3A_119 : memref<1x79x128xi32, #tpu.memory_space<hbm>> -> memref<79x128xi32, #tpu.memory_space<hbm>>
      %dma_start3A_121 = arith.constant 0 : i32
      %dma_start3A_122 = tpu.memref_slice %arg3[%run_scoped3A, %min3A_5, %dma_start3A_121] : memref<2x2500x128xi32, #tpu.memory_space<hbm>> -> memref<1x79x128xi32, #tpu.memory_space<hbm>>
      %dma_start3A_123 = tpu.memref_squeeze %dma_start3A_122 : memref<1x79x128xi32, #tpu.memory_space<hbm>> -> memref<79x128xi32, #tpu.memory_space<hbm>>
      tpu.enqueue_dma source(%dma_start3A_123 : memref<79x128xi32, #tpu.memory_space<hbm>>) target(%arg5 : memref<79x128xi32, #tpu.memory_space<vmem>>) target_semaphore(%run_scoped3A_117 : memref<!tpu.dma_semaphore, #tpu.memory_space<semaphore_mem>>)
      %dma_wait3A_124 = arith.constant 0 : i32
      %dma_wait3A_125 = tpu.memref_slice %arg3[%run_scoped3A, %min3A_5, %dma_wait3A_124] : memref<2x2500x128xi32, #tpu.memory_space<hbm>> -> memref<1x79x128xi32, #tpu.memory_space<hbm>>
      %dma_wait3A_126 = tpu.memref_squeeze %dma_wait3A_125 : memref<1x79x128xi32, #tpu.memory_space<hbm>> -> memref<79x128xi32, #tpu.memory_space<hbm>>
      %dma_wait3A_127 = arith.constant 0 : i32
      %dma_wait3A_128 = tpu.memref_slice %arg3[%run_scoped3A, %min3A_5, %dma_wait3A_127] : memref<2x2500x128xi32, #tpu.memory_space<hbm>> -> memref<1x79x128xi32, #tpu.memory_space<hbm>>
      %dma_wait3A_129 = tpu.memref_squeeze %dma_wait3A_128 : memref<1x79x128xi32, #tpu.memory_space<hbm>> -> memref<79x128xi32, #tpu.memory_space<hbm>>
      tpu.wait_dma2 semaphore(%run_scoped3A_117 : memref<!tpu.dma_semaphore, #tpu.memory_space<semaphore_mem>>) src(%dma_wait3A_129 : memref<79x128xi32, #tpu.memory_space<hbm>>) dst(%arg5 : memref<79x128xi32, #tpu.memory_space<vmem>>)
      tpu.yield
    }) : () -> ()
    %run_scoped3A_8 = arith.constant 1 : i32
    "tpu.region"() ({
      %run_scoped3A_117 = tpu.sem_alloc : memref<!tpu.dma_semaphore, #tpu.memory_space<semaphore_mem>>
      %dma_start3A_118 = arith.constant 0 : i32
      %dma_start3A_119 = tpu.memref_slice %arg3[%run_scoped3A_8, %min3A_5, %dma_start3A_118] : memref<2x2500x128xi32, #tpu.memory_space<hbm>> -> memref<1x79x128xi32, #tpu.memory_space<hbm>>
      %dma_start3A_120 = tpu.memref_squeeze %dma_start3A_119 : memref<1x79x128xi32, #tpu.memory_space<hbm>> -> memref<79x128xi32, #tpu.memory_space<hbm>>
      %dma_start3A_121 = arith.constant 0 : i32
      %dma_start3A_122 = tpu.memref_slice %arg3[%run_scoped3A_8, %min3A_5, %dma_start3A_121] : memref<2x2500x128xi32, #tpu.memory_space<hbm>> -> memref<1x79x128xi32, #tpu.memory_space<hbm>>
      %dma_start3A_123 = tpu.memref_squeeze %dma_start3A_122 : memref<1x79x128xi32, #tpu.memory_space<hbm>> -> memref<79x128xi32, #tpu.memory_space<hbm>>
      tpu.enqueue_dma source(%dma_start3A_123 : memref<79x128xi32, #tpu.memory_space<hbm>>) target(%arg6 : memref<79x128xi32, #tpu.memory_space<vmem>>) target_semaphore(%run_scoped3A_117 : memref<!tpu.dma_semaphore, #tpu.memory_space<semaphore_mem>>)
      %dma_wait3A_124 = arith.constant 0 : i32
      %dma_wait3A_125 = tpu.memref_slice %arg3[%run_scoped3A_8, %min3A_5, %dma_wait3A_124] : memref<2x2500x128xi32, #tpu.memory_space<hbm>> -> memref<1x79x128xi32, #tpu.memory_space<hbm>>
      %dma_wait3A_126 = tpu.memref_squeeze %dma_wait3A_125 : memref<1x79x128xi32, #tpu.memory_space<hbm>> -> memref<79x128xi32, #tpu.memory_space<hbm>>
      %dma_wait3A_127 = arith.constant 0 : i32
      %dma_wait3A_128 = tpu.memref_slice %arg3[%run_scoped3A_8, %min3A_5, %dma_wait3A_127] : memref<2x2500x128xi32, #tpu.memory_space<hbm>> -> memref<1x79x128xi32, #tpu.memory_space<hbm>>
      %dma_wait3A_129 = tpu.memref_squeeze %dma_wait3A_128 : memref<1x79x128xi32, #tpu.memory_space<hbm>> -> memref<79x128xi32, #tpu.memory_space<hbm>>
      tpu.wait_dma2 semaphore(%run_scoped3A_117 : memref<!tpu.dma_semaphore, #tpu.memory_space<semaphore_mem>>) src(%dma_wait3A_129 : memref<79x128xi32, #tpu.memory_space<hbm>>) dst(%arg6 : memref<79x128xi32, #tpu.memory_space<vmem>>)
      tpu.yield
    }) : () -> ()
    "tpu.region"() ({
      %run_scoped3A_117 = tpu.sem_alloc : memref<!tpu.dma_semaphore, #tpu.memory_space<semaphore_mem>>
      %dma_start3A_118 = arith.constant 0 : i32
      %dma_start3A_119 = tpu.memref_slice %arg8[%mul3A_2, %dma_start3A_118] : memref<10240x32xf32, #tpu.memory_space<vmem_shared>> -> memref<640x32xf32, #tpu.memory_space<vmem_shared>>
      %dma_start3A_120 = arith.constant 0 : i32
      %dma_start3A_121 = tpu.memref_slice %arg2[%mul3A_2, %dma_start3A_120] : memref<10240x32xf32, #tpu.memory_space<hbm>> -> memref<640x32xf32, #tpu.memory_space<hbm>>
      tpu.enqueue_dma source(%dma_start3A_121 : memref<640x32xf32, #tpu.memory_space<hbm>>) target(%dma_start3A_119 : memref<640x32xf32, #tpu.memory_space<vmem_shared>>) target_semaphore(%run_scoped3A_117 : memref<!tpu.dma_semaphore, #tpu.memory_space<semaphore_mem>>)
      %dma_wait3A_122 = arith.constant 0 : i32
      %dma_wait3A_123 = tpu.memref_slice %arg8[%mul3A_2, %dma_wait3A_122] : memref<10240x32xf32, #tpu.memory_space<vmem_shared>> -> memref<640x32xf32, #tpu.memory_space<vmem_shared>>
      %dma_wait3A_124 = arith.constant 0 : i32
      %dma_wait3A_125 = tpu.memref_slice %arg2[%mul3A_2, %dma_wait3A_124] : memref<10240x32xf32, #tpu.memory_space<hbm>> -> memref<640x32xf32, #tpu.memory_space<hbm>>
      tpu.wait_dma2 semaphore(%run_scoped3A_117 : memref<!tpu.dma_semaphore, #tpu.memory_space<semaphore_mem>>) src(%dma_wait3A_125 : memref<640x32xf32, #tpu.memory_space<hbm>>) dst(%dma_wait3A_123 : memref<640x32xf32, #tpu.memory_space<vmem_shared>>)
      tpu.yield
    }) : () -> ()
    "tpu.region"() ({
      %run_scoped3A_117 = tpu.sem_alloc : memref<!tpu.dma_semaphore, #tpu.memory_space<semaphore_mem>>
      %dma_start3A_118 = arith.constant 0 : i32
      %dma_start3A_119 = tpu.memref_slice %arg9[%mul3A_2, %dma_start3A_118] : memref<10240x32xf32, #tpu.memory_space<vmem_shared>> -> memref<640x32xf32, #tpu.memory_space<vmem_shared>>
      %dma_start3A_120 = arith.constant 0 : i32
      %dma_start3A_121 = tpu.memref_slice %arg2[%mul3A_2, %dma_start3A_120] : memref<10240x32xf32, #tpu.memory_space<hbm>> -> memref<640x32xf32, #tpu.memory_space<hbm>>
      tpu.enqueue_dma source(%dma_start3A_121 : memref<640x32xf32, #tpu.memory_space<hbm>>) target(%dma_start3A_119 : memref<640x32xf32, #tpu.memory_space<vmem_shared>>) target_semaphore(%run_scoped3A_117 : memref<!tpu.dma_semaphore, #tpu.memory_space<semaphore_mem>>)
      %dma_wait3A_122 = arith.constant 0 : i32
      %dma_wait3A_123 = tpu.memref_slice %arg9[%mul3A_2, %dma_wait3A_122] : memref<10240x32xf32, #tpu.memory_space<vmem_shared>> -> memref<640x32xf32, #tpu.memory_space<vmem_shared>>
      %dma_wait3A_124 = arith.constant 0 : i32
      %dma_wait3A_125 = tpu.memref_slice %arg2[%mul3A_2, %dma_wait3A_124] : memref<10240x32xf32, #tpu.memory_space<hbm>> -> memref<640x32xf32, #tpu.memory_space<hbm>>
      tpu.wait_dma2 semaphore(%run_scoped3A_117 : memref<!tpu.dma_semaphore, #tpu.memory_space<semaphore_mem>>) src(%dma_wait3A_125 : memref<640x32xf32, #tpu.memory_space<hbm>>) dst(%dma_wait3A_123 : memref<640x32xf32, #tpu.memory_space<vmem_shared>>)
      tpu.yield
    }) : () -> ()
    %barrier3A = arith.constant 0 : index
    tpu.barrier barrier_id(%barrier3A)
    %add3A_9 = arith.constant 0 : i32
    %add3A_10 = arith.addi %sub3A, %add3A_9 : i32
    %dma_start3A = arith.constant 0 : i32
    %dma_start3A_11 = arith.constant 0 : i32
    %dma_start3A_12 = arith.constant 0 : i32
    %dma_start3A_13 = tpu.memref_slice %arg7[%dma_start3A, %dma_start3A_11, %dma_start3A_12] : memref<8x128x32xf32, #tpu.memory_space<vmem>> -> memref<1x128x32xf32, #tpu.memory_space<vmem>>
    %dma_start3A_14 = tpu.memref_squeeze %dma_start3A_13 : memref<1x128x32xf32, #tpu.memory_space<vmem>> -> memref<128x32xf32, #tpu.memory_space<vmem>>
    %dma_start3A_15 = arith.constant 0 : i32
    %dma_start3A_16 = tpu.memref_slice %arg5[%add3A_10, %dma_start3A_15] : memref<79x128xi32, #tpu.memory_space<vmem>> -> memref<1x128xi32, #tpu.memory_space<vmem>>
    %dma_start3A_17 = tpu.memref_squeeze %dma_start3A_16 : memref<1x128xi32, #tpu.memory_space<vmem>> -> memref<128xi32, #tpu.memory_space<vmem>>
    %dma_start3A_18 = arith.constant 0 : i32
    %dma_start3A_19 = arith.constant 0 : i32
    %dma_start3A_20 = tpu.memref_slice %arg9[%dma_start3A_18, %dma_start3A_19] : memref<10240x32xf32, #tpu.memory_space<vmem_shared>> -> memref<10240x32xf32, #tpu.memory_space<vmem_shared>>
    tpu.enqueue_indirect_dma source(%dma_start3A_20 : memref<10240x32xf32, #tpu.memory_space<vmem_shared>>) target(%dma_start3A_14 : memref<128x32xf32, #tpu.memory_space<vmem>>) offsets(%dma_start3A_17 : memref<128xi32, #tpu.memory_space<vmem>>) semaphore(%arg10 : memref<!tpu.dma_semaphore, #tpu.memory_space<semaphore_mem>>)
    %add3A_21 = arith.constant 1 : i32
    %add3A_22 = arith.addi %sub3A, %add3A_21 : i32
    %dma_start3A_23 = arith.constant 1 : i32
    %dma_start3A_24 = arith.constant 0 : i32
    %dma_start3A_25 = arith.constant 0 : i32
    %dma_start3A_26 = tpu.memref_slice %arg7[%dma_start3A_23, %dma_start3A_24, %dma_start3A_25] : memref<8x128x32xf32, #tpu.memory_space<vmem>> -> memref<1x128x32xf32, #tpu.memory_space<vmem>>
    %dma_start3A_27 = tpu.memref_squeeze %dma_start3A_26 : memref<1x128x32xf32, #tpu.memory_space<vmem>> -> memref<128x32xf32, #tpu.memory_space<vmem>>
    %dma_start3A_28 = arith.constant 0 : i32
    %dma_start3A_29 = tpu.memref_slice %arg5[%add3A_22, %dma_start3A_28] : memref<79x128xi32, #tpu.memory_space<vmem>> -> memref<1x128xi32, #tpu.memory_space<vmem>>
    %dma_start3A_30 = tpu.memref_squeeze %dma_start3A_29 : memref<1x128xi32, #tpu.memory_space<vmem>> -> memref<128xi32, #tpu.memory_space<vmem>>
    %dma_start3A_31 = arith.constant 0 : i32
    %dma_start3A_32 = arith.constant 0 : i32
    %dma_start3A_33 = tpu.memref_slice %arg9[%dma_start3A_31, %dma_start3A_32] : memref<10240x32xf32, #tpu.memory_space<vmem_shared>> -> memref<10240x32xf32, #tpu.memory_space<vmem_shared>>
    tpu.enqueue_indirect_dma source(%dma_start3A_33 : memref<10240x32xf32, #tpu.memory_space<vmem_shared>>) target(%dma_start3A_27 : memref<128x32xf32, #tpu.memory_space<vmem>>) offsets(%dma_start3A_30 : memref<128xi32, #tpu.memory_space<vmem>>) semaphore(%arg10 : memref<!tpu.dma_semaphore, #tpu.memory_space<semaphore_mem>>)
    %add3A_34 = arith.constant 2 : i32
    %add3A_35 = arith.addi %sub3A, %add3A_34 : i32
    %dma_start3A_36 = arith.constant 2 : i32
    %dma_start3A_37 = arith.constant 0 : i32
    %dma_start3A_38 = arith.constant 0 : i32
    %dma_start3A_39 = tpu.memref_slice %arg7[%dma_start3A_36, %dma_start3A_37, %dma_start3A_38] : memref<8x128x32xf32, #tpu.memory_space<vmem>> -> memref<1x128x32xf32, #tpu.memory_space<vmem>>
    %dma_start3A_40 = tpu.memref_squeeze %dma_start3A_39 : memref<1x128x32xf32, #tpu.memory_space<vmem>> -> memref<128x32xf32, #tpu.memory_space<vmem>>
    %dma_start3A_41 = arith.constant 0 : i32
    %dma_start3A_42 = tpu.memref_slice %arg5[%add3A_35, %dma_start3A_41] : memref<79x128xi32, #tpu.memory_space<vmem>> -> memref<1x128xi32, #tpu.memory_space<vmem>>
    %dma_start3A_43 = tpu.memref_squeeze %dma_start3A_42 : memref<1x128xi32, #tpu.memory_space<vmem>> -> memref<128xi32, #tpu.memory_space<vmem>>
    %dma_start3A_44 = arith.constant 0 : i32
    %dma_start3A_45 = arith.constant 0 : i32
    %dma_start3A_46 = tpu.memref_slice %arg9[%dma_start3A_44, %dma_start3A_45] : memref<10240x32xf32, #tpu.memory_space<vmem_shared>> -> memref<10240x32xf32, #tpu.memory_space<vmem_shared>>
    tpu.enqueue_indirect_dma source(%dma_start3A_46 : memref<10240x32xf32, #tpu.memory_space<vmem_shared>>) target(%dma_start3A_40 : memref<128x32xf32, #tpu.memory_space<vmem>>) offsets(%dma_start3A_43 : memref<128xi32, #tpu.memory_space<vmem>>) semaphore(%arg10 : memref<!tpu.dma_semaphore, #tpu.memory_space<semaphore_mem>>)
    %add3A_47 = arith.constant 3 : i32
    %add3A_48 = arith.addi %sub3A, %add3A_47 : i32
    %dma_start3A_49 = arith.constant 3 : i32
    %dma_start3A_50 = arith.constant 0 : i32
    %dma_start3A_51 = arith.constant 0 : i32
    %dma_start3A_52 = tpu.memref_slice %arg7[%dma_start3A_49, %dma_start3A_50, %dma_start3A_51] : memref<8x128x32xf32, #tpu.memory_space<vmem>> -> memref<1x128x32xf32, #tpu.memory_space<vmem>>
    %dma_start3A_53 = tpu.memref_squeeze %dma_start3A_52 : memref<1x128x32xf32, #tpu.memory_space<vmem>> -> memref<128x32xf32, #tpu.memory_space<vmem>>
    %dma_start3A_54 = arith.constant 0 : i32
    %dma_start3A_55 = tpu.memref_slice %arg5[%add3A_48, %dma_start3A_54] : memref<79x128xi32, #tpu.memory_space<vmem>> -> memref<1x128xi32, #tpu.memory_space<vmem>>
    %dma_start3A_56 = tpu.memref_squeeze %dma_start3A_55 : memref<1x128xi32, #tpu.memory_space<vmem>> -> memref<128xi32, #tpu.memory_space<vmem>>
    %dma_start3A_57 = arith.constant 0 : i32
    %dma_start3A_58 = arith.constant 0 : i32
    %dma_start3A_59 = tpu.memref_slice %arg9[%dma_start3A_57, %dma_start3A_58] : memref<10240x32xf32, #tpu.memory_space<vmem_shared>> -> memref<10240x32xf32, #tpu.memory_space<vmem_shared>>
    tpu.enqueue_indirect_dma source(%dma_start3A_59 : memref<10240x32xf32, #tpu.memory_space<vmem_shared>>) target(%dma_start3A_53 : memref<128x32xf32, #tpu.memory_space<vmem>>) offsets(%dma_start3A_56 : memref<128xi32, #tpu.memory_space<vmem>>) semaphore(%arg10 : memref<!tpu.dma_semaphore, #tpu.memory_space<semaphore_mem>>)
    %while3A = arith.constant 0 : i32
    %while3A_60 = arith.constant 0 : i32
    %while3A_61 = arith.subi %sub3A_7, %while3A_60 : i32
    %while3A_62 = arith.addi %while3A_60, %while3A_61 : i32
    %while3A_63 = arith.constant 1 : i32
    %while3A_64 = arith.divsi %while3A_61, %while3A_63 : i32
    %while3A_65 = arith.muli %while3A_64, %while3A_63 : i32
    %while3A_66 = arith.addi %while3A_60, %while3A_65 : i32
    %while3A_67 = arith.constant 1 : i32
    scf.for %while3A_117 = %while3A_60 to %while3A_66 step %while3A_67  : i32 {
      %ge3A = arith.constant 4 : i32
      %ge3A_118 = arith.cmpi sge, %while3A_117, %ge3A : i32
      %convert_element_type3A = arith.extui %ge3A_118 : i1 to i32
      %cond3A = arith.constant 0 : i32
      %cond3A_119 = arith.cmpi ne, %convert_element_type3A, %cond3A : i32
      scf.if %cond3A_119 {
        %dma_wait3A_158 = arith.constant 0 : i32
        %dma_wait3A_159 = arith.constant 0 : i32
        %dma_wait3A_160 = arith.constant 0 : i32
        %dma_wait3A_161 = arith.constant 0 : i32
        %dma_wait3A_162 = tpu.memref_slice %arg7[%dma_wait3A_158, %dma_wait3A_160, %dma_wait3A_161] : memref<8x128x32xf32, #tpu.memory_space<vmem>> -> memref<1x128x32xf32, #tpu.memory_space<vmem>>
        %dma_wait3A_163 = tpu.memref_squeeze %dma_wait3A_162 : memref<1x128x32xf32, #tpu.memory_space<vmem>> -> memref<128x32xf32, #tpu.memory_space<vmem>>
        %dma_wait3A_164 = arith.constant 0 : i32
        %dma_wait3A_165 = tpu.memref_slice %arg6[%dma_wait3A_159, %dma_wait3A_164] : memref<79x128xi32, #tpu.memory_space<vmem>> -> memref<1x128xi32, #tpu.memory_space<vmem>>
        %dma_wait3A_166 = tpu.memref_squeeze %dma_wait3A_165 : memref<1x128xi32, #tpu.memory_space<vmem>> -> memref<128xi32, #tpu.memory_space<vmem>>
        %dma_wait3A_167 = arith.constant 0 : i32
        %dma_wait3A_168 = arith.constant 0 : i32
        %dma_wait3A_169 = tpu.memref_slice %arg8[%dma_wait3A_167, %dma_wait3A_168] : memref<10240x32xf32, #tpu.memory_space<vmem_shared>> -> memref<10240x32xf32, #tpu.memory_space<vmem_shared>>
        tpu.wait_indirect_dma semaphore(%arg11 : memref<!tpu.dma_semaphore, #tpu.memory_space<semaphore_mem>>) src(%dma_wait3A_163 : memref<128x32xf32, #tpu.memory_space<vmem>>) dst(%dma_wait3A_169 : memref<10240x32xf32, #tpu.memory_space<vmem_shared>>)
      } else {
      }
      %add3A_120 = arith.constant 4 : i32
      %add3A_121 = arith.addi %while3A_117, %add3A_120 : i32
      %lt3A = arith.cmpi slt, %add3A_121, %sub3A_7 : i32
      %convert_element_type3A_122 = arith.extui %lt3A : i1 to i32
      %cond3A_123 = arith.constant 0 : i32
      %cond3A_124 = arith.cmpi ne, %convert_element_type3A_122, %cond3A_123 : i32
      scf.if %cond3A_124 {
        %add3A_158 = arith.addi %sub3A, %while3A_117 : i32
        %add3A_159 = arith.constant 4 : i32
        %add3A_160 = arith.addi %add3A_158, %add3A_159 : i32
        %add3A_161 = arith.constant 4 : i32
        %add3A_162 = arith.addi %while3A_117, %add3A_161 : i32
        %jit3A_163 = arith.constant 8 : i32
        %eq3A_164 = arith.constant 0 : i32
        %eq3A_165 = arith.cmpi eq, %jit3A_163, %eq3A_164 : i32
        %jit3A_166 = arith.constant 1 : i32
        %select_n3A_167 = arith.select %eq3A_165, %jit3A_166, %jit3A_163 : i32
        %rem3A_168 = arith.remsi %add3A_162, %select_n3A_167 : i32
        %ne3A_169 = arith.constant 0 : i32
        %ne3A_170 = arith.cmpi ne, %rem3A_168, %ne3A_169 : i32
        %lt3A_171 = arith.constant 0 : i32
        %lt3A_172 = arith.cmpi slt, %rem3A_168, %lt3A_171 : i32
        %lt3A_173 = arith.constant 0 : i32
        %lt3A_174 = arith.cmpi slt, %select_n3A_167, %lt3A_173 : i32
        %ne3A_175 = arith.xori %lt3A_172, %lt3A_174 : i1
        %and3A_176 = arith.andi %ne3A_175, %ne3A_170 : i1
        %add3A_177 = arith.addi %rem3A_168, %select_n3A_167 : i32
        %select_n3A_178 = arith.select %and3A_176, %add3A_177, %rem3A_168 : i32
        %dma_start3A_179 = arith.constant 0 : i32
        %dma_start3A_180 = arith.constant 0 : i32
        %dma_start3A_181 = tpu.memref_slice %arg7[%select_n3A_178, %dma_start3A_179, %dma_start3A_180] : memref<8x128x32xf32, #tpu.memory_space<vmem>> -> memref<1x128x32xf32, #tpu.memory_space<vmem>>
        %dma_start3A_182 = tpu.memref_squeeze %dma_start3A_181 : memref<1x128x32xf32, #tpu.memory_space<vmem>> -> memref<128x32xf32, #tpu.memory_space<vmem>>
        %dma_start3A_183 = arith.constant 0 : i32
        %dma_start3A_184 = tpu.memref_slice %arg5[%add3A_160, %dma_start3A_183] : memref<79x128xi32, #tpu.memory_space<vmem>> -> memref<1x128xi32, #tpu.memory_space<vmem>>
        %dma_start3A_185 = tpu.memref_squeeze %dma_start3A_184 : memref<1x128xi32, #tpu.memory_space<vmem>> -> memref<128xi32, #tpu.memory_space<vmem>>
        %dma_start3A_186 = arith.constant 0 : i32
        %dma_start3A_187 = arith.constant 0 : i32
        %dma_start3A_188 = tpu.memref_slice %arg9[%dma_start3A_186, %dma_start3A_187] : memref<10240x32xf32, #tpu.memory_space<vmem_shared>> -> memref<10240x32xf32, #tpu.memory_space<vmem_shared>>
        tpu.enqueue_indirect_dma source(%dma_start3A_188 : memref<10240x32xf32, #tpu.memory_space<vmem_shared>>) target(%dma_start3A_182 : memref<128x32xf32, #tpu.memory_space<vmem>>) offsets(%dma_start3A_185 : memref<128xi32, #tpu.memory_space<vmem>>) semaphore(%arg10 : memref<!tpu.dma_semaphore, #tpu.memory_space<semaphore_mem>>)
      } else {
      }
      %dma_wait3A_125 = arith.constant 0 : i32
      %dma_wait3A_126 = arith.constant 0 : i32
      %dma_wait3A_127 = arith.constant 0 : i32
      %dma_wait3A_128 = arith.constant 0 : i32
      %dma_wait3A_129 = tpu.memref_slice %arg7[%dma_wait3A_126, %dma_wait3A_127, %dma_wait3A_128] : memref<8x128x32xf32, #tpu.memory_space<vmem>> -> memref<1x128x32xf32, #tpu.memory_space<vmem>>
      %dma_wait3A_130 = tpu.memref_squeeze %dma_wait3A_129 : memref<1x128x32xf32, #tpu.memory_space<vmem>> -> memref<128x32xf32, #tpu.memory_space<vmem>>
      %dma_wait3A_131 = arith.constant 0 : i32
      %dma_wait3A_132 = tpu.memref_slice %arg5[%dma_wait3A_125, %dma_wait3A_131] : memref<79x128xi32, #tpu.memory_space<vmem>> -> memref<1x128xi32, #tpu.memory_space<vmem>>
      %dma_wait3A_133 = tpu.memref_squeeze %dma_wait3A_132 : memref<1x128xi32, #tpu.memory_space<vmem>> -> memref<128xi32, #tpu.memory_space<vmem>>
      %dma_wait3A_134 = arith.constant 0 : i32
      %dma_wait3A_135 = arith.constant 0 : i32
      %dma_wait3A_136 = tpu.memref_slice %arg9[%dma_wait3A_134, %dma_wait3A_135] : memref<10240x32xf32, #tpu.memory_space<vmem_shared>> -> memref<10240x32xf32, #tpu.memory_space<vmem_shared>>
      tpu.wait_indirect_dma semaphore(%arg10 : memref<!tpu.dma_semaphore, #tpu.memory_space<semaphore_mem>>) src(%dma_wait3A_136 : memref<10240x32xf32, #tpu.memory_space<vmem_shared>>) dst(%dma_wait3A_130 : memref<128x32xf32, #tpu.memory_space<vmem>>)
      %jit3A = arith.constant 8 : i32
      %eq3A = arith.constant 0 : i32
      %eq3A_137 = arith.cmpi eq, %jit3A, %eq3A : i32
      %jit3A_138 = arith.constant 1 : i32
      %select_n3A = arith.select %eq3A_137, %jit3A_138, %jit3A : i32
      %rem3A = arith.remsi %while3A_117, %select_n3A : i32
      %ne3A = arith.constant 0 : i32
      %ne3A_139 = arith.cmpi ne, %rem3A, %ne3A : i32
      %lt3A_140 = arith.constant 0 : i32
      %lt3A_141 = arith.cmpi slt, %rem3A, %lt3A_140 : i32
      %lt3A_142 = arith.constant 0 : i32
      %lt3A_143 = arith.cmpi slt, %select_n3A, %lt3A_142 : i32
      %ne3A_144 = arith.xori %lt3A_141, %lt3A_143 : i1
      %and3A = arith.andi %ne3A_144, %ne3A_139 : i1
      %add3A_145 = arith.addi %rem3A, %select_n3A : i32
      %select_n3A_146 = arith.select %and3A, %add3A_145, %rem3A : i32
      %add3A_147 = arith.addi %sub3A, %while3A_117 : i32
      %dma_start3A_148 = arith.constant 0 : i32
      %dma_start3A_149 = arith.constant 0 : i32
      %dma_start3A_150 = tpu.memref_slice %arg7[%select_n3A_146, %dma_start3A_148, %dma_start3A_149] : memref<8x128x32xf32, #tpu.memory_space<vmem>> -> memref<1x128x32xf32, #tpu.memory_space<vmem>>
      %dma_start3A_151 = tpu.memref_squeeze %dma_start3A_150 : memref<1x128x32xf32, #tpu.memory_space<vmem>> -> memref<128x32xf32, #tpu.memory_space<vmem>>
      %dma_start3A_152 = arith.constant 0 : i32
      %dma_start3A_153 = tpu.memref_slice %arg6[%add3A_147, %dma_start3A_152] : memref<79x128xi32, #tpu.memory_space<vmem>> -> memref<1x128xi32, #tpu.memory_space<vmem>>
      %dma_start3A_154 = tpu.memref_squeeze %dma_start3A_153 : memref<1x128xi32, #tpu.memory_space<vmem>> -> memref<128xi32, #tpu.memory_space<vmem>>
      %dma_start3A_155 = arith.constant 0 : i32
      %dma_start3A_156 = arith.constant 0 : i32
      %dma_start3A_157 = tpu.memref_slice %arg8[%dma_start3A_155, %dma_start3A_156] : memref<10240x32xf32, #tpu.memory_space<vmem_shared>> -> memref<10240x32xf32, #tpu.memory_space<vmem_shared>>
      tpu.enqueue_indirect_dma source(%dma_start3A_151 : memref<128x32xf32, #tpu.memory_space<vmem>>) target(%dma_start3A_157 : memref<10240x32xf32, #tpu.memory_space<vmem_shared>>) offsets(%dma_start3A_154 : memref<128xi32, #tpu.memory_space<vmem>>) semaphore(%arg11 : memref<!tpu.dma_semaphore, #tpu.memory_space<semaphore_mem>>) {add = true}
    }
    %while3A_68 = arith.constant 1 : i32
    scf.for %while3A_117 = %while3A_66 to %while3A_62 step %while3A_68  : i32 {
      %ge3A = arith.constant 4 : i32
      %ge3A_118 = arith.cmpi sge, %while3A_117, %ge3A : i32
      %convert_element_type3A = arith.extui %ge3A_118 : i1 to i32
      %cond3A = arith.constant 0 : i32
      %cond3A_119 = arith.cmpi ne, %convert_element_type3A, %cond3A : i32
      scf.if %cond3A_119 {
        %dma_wait3A_158 = arith.constant 0 : i32
        %dma_wait3A_159 = arith.constant 0 : i32
        %dma_wait3A_160 = arith.constant 0 : i32
        %dma_wait3A_161 = arith.constant 0 : i32
        %dma_wait3A_162 = tpu.memref_slice %arg7[%dma_wait3A_158, %dma_wait3A_160, %dma_wait3A_161] : memref<8x128x32xf32, #tpu.memory_space<vmem>> -> memref<1x128x32xf32, #tpu.memory_space<vmem>>
        %dma_wait3A_163 = tpu.memref_squeeze %dma_wait3A_162 : memref<1x128x32xf32, #tpu.memory_space<vmem>> -> memref<128x32xf32, #tpu.memory_space<vmem>>
        %dma_wait3A_164 = arith.constant 0 : i32
        %dma_wait3A_165 = tpu.memref_slice %arg6[%dma_wait3A_159, %dma_wait3A_164] : memref<79x128xi32, #tpu.memory_space<vmem>> -> memref<1x128xi32, #tpu.memory_space<vmem>>
        %dma_wait3A_166 = tpu.memref_squeeze %dma_wait3A_165 : memref<1x128xi32, #tpu.memory_space<vmem>> -> memref<128xi32, #tpu.memory_space<vmem>>
        %dma_wait3A_167 = arith.constant 0 : i32
        %dma_wait3A_168 = arith.constant 0 : i32
        %dma_wait3A_169 = tpu.memref_slice %arg8[%dma_wait3A_167, %dma_wait3A_168] : memref<10240x32xf32, #tpu.memory_space<vmem_shared>> -> memref<10240x32xf32, #tpu.memory_space<vmem_shared>>
        tpu.wait_indirect_dma semaphore(%arg11 : memref<!tpu.dma_semaphore, #tpu.memory_space<semaphore_mem>>) src(%dma_wait3A_163 : memref<128x32xf32, #tpu.memory_space<vmem>>) dst(%dma_wait3A_169 : memref<10240x32xf32, #tpu.memory_space<vmem_shared>>)
      } else {
      }
      %add3A_120 = arith.constant 4 : i32
      %add3A_121 = arith.addi %while3A_117, %add3A_120 : i32
      %lt3A = arith.cmpi slt, %add3A_121, %sub3A_7 : i32
      %convert_element_type3A_122 = arith.extui %lt3A : i1 to i32
      %cond3A_123 = arith.constant 0 : i32
      %cond3A_124 = arith.cmpi ne, %convert_element_type3A_122, %cond3A_123 : i32
      scf.if %cond3A_124 {
        %add3A_158 = arith.addi %sub3A, %while3A_117 : i32
        %add3A_159 = arith.constant 4 : i32
        %add3A_160 = arith.addi %add3A_158, %add3A_159 : i32
        %add3A_161 = arith.constant 4 : i32
        %add3A_162 = arith.addi %while3A_117, %add3A_161 : i32
        %jit3A_163 = arith.constant 8 : i32
        %eq3A_164 = arith.constant 0 : i32
        %eq3A_165 = arith.cmpi eq, %jit3A_163, %eq3A_164 : i32
        %jit3A_166 = arith.constant 1 : i32
        %select_n3A_167 = arith.select %eq3A_165, %jit3A_166, %jit3A_163 : i32
        %rem3A_168 = arith.remsi %add3A_162, %select_n3A_167 : i32
        %ne3A_169 = arith.constant 0 : i32
        %ne3A_170 = arith.cmpi ne, %rem3A_168, %ne3A_169 : i32
        %lt3A_171 = arith.constant 0 : i32
        %lt3A_172 = arith.cmpi slt, %rem3A_168, %lt3A_171 : i32
        %lt3A_173 = arith.constant 0 : i32
        %lt3A_174 = arith.cmpi slt, %select_n3A_167, %lt3A_173 : i32
        %ne3A_175 = arith.xori %lt3A_172, %lt3A_174 : i1
        %and3A_176 = arith.andi %ne3A_175, %ne3A_170 : i1
        %add3A_177 = arith.addi %rem3A_168, %select_n3A_167 : i32
        %select_n3A_178 = arith.select %and3A_176, %add3A_177, %rem3A_168 : i32
        %dma_start3A_179 = arith.constant 0 : i32
        %dma_start3A_180 = arith.constant 0 : i32
        %dma_start3A_181 = tpu.memref_slice %arg7[%select_n3A_178, %dma_start3A_179, %dma_start3A_180] : memref<8x128x32xf32, #tpu.memory_space<vmem>> -> memref<1x128x32xf32, #tpu.memory_space<vmem>>
        %dma_start3A_182 = tpu.memref_squeeze %dma_start3A_181 : memref<1x128x32xf32, #tpu.memory_space<vmem>> -> memref<128x32xf32, #tpu.memory_space<vmem>>
        %dma_start3A_183 = arith.constant 0 : i32
        %dma_start3A_184 = tpu.memref_slice %arg5[%add3A_160, %dma_start3A_183] : memref<79x128xi32, #tpu.memory_space<vmem>> -> memref<1x128xi32, #tpu.memory_space<vmem>>
        %dma_start3A_185 = tpu.memref_squeeze %dma_start3A_184 : memref<1x128xi32, #tpu.memory_space<vmem>> -> memref<128xi32, #tpu.memory_space<vmem>>
        %dma_start3A_186 = arith.constant 0 : i32
        %dma_start3A_187 = arith.constant 0 : i32
        %dma_start3A_188 = tpu.memref_slice %arg9[%dma_start3A_186, %dma_start3A_187] : memref<10240x32xf32, #tpu.memory_space<vmem_shared>> -> memref<10240x32xf32, #tpu.memory_space<vmem_shared>>
        tpu.enqueue_indirect_dma source(%dma_start3A_188 : memref<10240x32xf32, #tpu.memory_space<vmem_shared>>) target(%dma_start3A_182 : memref<128x32xf32, #tpu.memory_space<vmem>>) offsets(%dma_start3A_185 : memref<128xi32, #tpu.memory_space<vmem>>) semaphore(%arg10 : memref<!tpu.dma_semaphore, #tpu.memory_space<semaphore_mem>>)
      } else {
      }
      %dma_wait3A_125 = arith.constant 0 : i32
      %dma_wait3A_126 = arith.constant 0 : i32
      %dma_wait3A_127 = arith.constant 0 : i32
      %dma_wait3A_128 = arith.constant 0 : i32
      %dma_wait3A_129 = tpu.memref_slice %arg7[%dma_wait3A_126, %dma_wait3A_127, %dma_wait3A_128] : memref<8x128x32xf32, #tpu.memory_space<vmem>> -> memref<1x128x32xf32, #tpu.memory_space<vmem>>
      %dma_wait3A_130 = tpu.memref_squeeze %dma_wait3A_129 : memref<1x128x32xf32, #tpu.memory_space<vmem>> -> memref<128x32xf32, #tpu.memory_space<vmem>>
      %dma_wait3A_131 = arith.constant 0 : i32
      %dma_wait3A_132 = tpu.memref_slice %arg5[%dma_wait3A_125, %dma_wait3A_131] : memref<79x128xi32, #tpu.memory_space<vmem>> -> memref<1x128xi32, #tpu.memory_space<vmem>>
      %dma_wait3A_133 = tpu.memref_squeeze %dma_wait3A_132 : memref<1x128xi32, #tpu.memory_space<vmem>> -> memref<128xi32, #tpu.memory_space<vmem>>
      %dma_wait3A_134 = arith.constant 0 : i32
      %dma_wait3A_135 = arith.constant 0 : i32
      %dma_wait3A_136 = tpu.memref_slice %arg9[%dma_wait3A_134, %dma_wait3A_135] : memref<10240x32xf32, #tpu.memory_space<vmem_shared>> -> memref<10240x32xf32, #tpu.memory_space<vmem_shared>>
      tpu.wait_indirect_dma semaphore(%arg10 : memref<!tpu.dma_semaphore, #tpu.memory_space<semaphore_mem>>) src(%dma_wait3A_136 : memref<10240x32xf32, #tpu.memory_space<vmem_shared>>) dst(%dma_wait3A_130 : memref<128x32xf32, #tpu.memory_space<vmem>>)
      %jit3A = arith.constant 8 : i32
      %eq3A = arith.constant 0 : i32
      %eq3A_137 = arith.cmpi eq, %jit3A, %eq3A : i32
      %jit3A_138 = arith.constant 1 : i32
      %select_n3A = arith.select %eq3A_137, %jit3A_138, %jit3A : i32
      %rem3A = arith.remsi %while3A_117, %select_n3A : i32
      %ne3A = arith.constant 0 : i32
      %ne3A_139 = arith.cmpi ne, %rem3A, %ne3A : i32
      %lt3A_140 = arith.constant 0 : i32
      %lt3A_141 = arith.cmpi slt, %rem3A, %lt3A_140 : i32
      %lt3A_142 = arith.constant 0 : i32
      %lt3A_143 = arith.cmpi slt, %select_n3A, %lt3A_142 : i32
      %ne3A_144 = arith.xori %lt3A_141, %lt3A_143 : i1
      %and3A = arith.andi %ne3A_144, %ne3A_139 : i1
      %add3A_145 = arith.addi %rem3A, %select_n3A : i32
      %select_n3A_146 = arith.select %and3A, %add3A_145, %rem3A : i32
      %add3A_147 = arith.addi %sub3A, %while3A_117 : i32
      %dma_start3A_148 = arith.constant 0 : i32
      %dma_start3A_149 = arith.constant 0 : i32
      %dma_start3A_150 = tpu.memref_slice %arg7[%select_n3A_146, %dma_start3A_148, %dma_start3A_149] : memref<8x128x32xf32, #tpu.memory_space<vmem>> -> memref<1x128x32xf32, #tpu.memory_space<vmem>>
      %dma_start3A_151 = tpu.memref_squeeze %dma_start3A_150 : memref<1x128x32xf32, #tpu.memory_space<vmem>> -> memref<128x32xf32, #tpu.memory_space<vmem>>
      %dma_start3A_152 = arith.constant 0 : i32
      %dma_start3A_153 = tpu.memref_slice %arg6[%add3A_147, %dma_start3A_152] : memref<79x128xi32, #tpu.memory_space<vmem>> -> memref<1x128xi32, #tpu.memory_space<vmem>>
      %dma_start3A_154 = tpu.memref_squeeze %dma_start3A_153 : memref<1x128xi32, #tpu.memory_space<vmem>> -> memref<128xi32, #tpu.memory_space<vmem>>
      %dma_start3A_155 = arith.constant 0 : i32
      %dma_start3A_156 = arith.constant 0 : i32
      %dma_start3A_157 = tpu.memref_slice %arg8[%dma_start3A_155, %dma_start3A_156] : memref<10240x32xf32, #tpu.memory_space<vmem_shared>> -> memref<10240x32xf32, #tpu.memory_space<vmem_shared>>
      tpu.enqueue_indirect_dma source(%dma_start3A_151 : memref<128x32xf32, #tpu.memory_space<vmem>>) target(%dma_start3A_157 : memref<10240x32xf32, #tpu.memory_space<vmem_shared>>) offsets(%dma_start3A_154 : memref<128xi32, #tpu.memory_space<vmem>>) semaphore(%arg11 : memref<!tpu.dma_semaphore, #tpu.memory_space<semaphore_mem>>) {add = true}
    }
    %dma_wait3A = arith.constant 0 : i32
    %dma_wait3A_69 = arith.constant 0 : i32
    %dma_wait3A_70 = arith.constant 0 : i32
    %dma_wait3A_71 = arith.constant 0 : i32
    %dma_wait3A_72 = tpu.memref_slice %arg7[%dma_wait3A, %dma_wait3A_70, %dma_wait3A_71] : memref<8x128x32xf32, #tpu.memory_space<vmem>> -> memref<1x128x32xf32, #tpu.memory_space<vmem>>
    %dma_wait3A_73 = tpu.memref_squeeze %dma_wait3A_72 : memref<1x128x32xf32, #tpu.memory_space<vmem>> -> memref<128x32xf32, #tpu.memory_space<vmem>>
    %dma_wait3A_74 = arith.constant 0 : i32
    %dma_wait3A_75 = tpu.memref_slice %arg6[%dma_wait3A_69, %dma_wait3A_74] : memref<79x128xi32, #tpu.memory_space<vmem>> -> memref<1x128xi32, #tpu.memory_space<vmem>>
    %dma_wait3A_76 = tpu.memref_squeeze %dma_wait3A_75 : memref<1x128xi32, #tpu.memory_space<vmem>> -> memref<128xi32, #tpu.memory_space<vmem>>
    %dma_wait3A_77 = arith.constant 0 : i32
    %dma_wait3A_78 = arith.constant 0 : i32
    %dma_wait3A_79 = tpu.memref_slice %arg8[%dma_wait3A_77, %dma_wait3A_78] : memref<10240x32xf32, #tpu.memory_space<vmem_shared>> -> memref<10240x32xf32, #tpu.memory_space<vmem_shared>>
    tpu.wait_indirect_dma semaphore(%arg11 : memref<!tpu.dma_semaphore, #tpu.memory_space<semaphore_mem>>) src(%dma_wait3A_73 : memref<128x32xf32, #tpu.memory_space<vmem>>) dst(%dma_wait3A_79 : memref<10240x32xf32, #tpu.memory_space<vmem_shared>>)
    %dma_wait3A_80 = arith.constant 0 : i32
    %dma_wait3A_81 = arith.constant 0 : i32
    %dma_wait3A_82 = arith.constant 0 : i32
    %dma_wait3A_83 = arith.constant 0 : i32
    %dma_wait3A_84 = tpu.memref_slice %arg7[%dma_wait3A_80, %dma_wait3A_82, %dma_wait3A_83] : memref<8x128x32xf32, #tpu.memory_space<vmem>> -> memref<1x128x32xf32, #tpu.memory_space<vmem>>
    %dma_wait3A_85 = tpu.memref_squeeze %dma_wait3A_84 : memref<1x128x32xf32, #tpu.memory_space<vmem>> -> memref<128x32xf32, #tpu.memory_space<vmem>>
    %dma_wait3A_86 = arith.constant 0 : i32
    %dma_wait3A_87 = tpu.memref_slice %arg6[%dma_wait3A_81, %dma_wait3A_86] : memref<79x128xi32, #tpu.memory_space<vmem>> -> memref<1x128xi32, #tpu.memory_space<vmem>>
    %dma_wait3A_88 = tpu.memref_squeeze %dma_wait3A_87 : memref<1x128xi32, #tpu.memory_space<vmem>> -> memref<128xi32, #tpu.memory_space<vmem>>
    %dma_wait3A_89 = arith.constant 0 : i32
    %dma_wait3A_90 = arith.constant 0 : i32
    %dma_wait3A_91 = tpu.memref_slice %arg8[%dma_wait3A_89, %dma_wait3A_90] : memref<10240x32xf32, #tpu.memory_space<vmem_shared>> -> memref<10240x32xf32, #tpu.memory_space<vmem_shared>>
    tpu.wait_indirect_dma semaphore(%arg11 : memref<!tpu.dma_semaphore, #tpu.memory_space<semaphore_mem>>) src(%dma_wait3A_85 : memref<128x32xf32, #tpu.memory_space<vmem>>) dst(%dma_wait3A_91 : memref<10240x32xf32, #tpu.memory_space<vmem_shared>>)
    %dma_wait3A_92 = arith.constant 0 : i32
    %dma_wait3A_93 = arith.constant 0 : i32
    %dma_wait3A_94 = arith.constant 0 : i32
    %dma_wait3A_95 = arith.constant 0 : i32
    %dma_wait3A_96 = tpu.memref_slice %arg7[%dma_wait3A_92, %dma_wait3A_94, %dma_wait3A_95] : memref<8x128x32xf32, #tpu.memory_space<vmem>> -> memref<1x128x32xf32, #tpu.memory_space<vmem>>
    %dma_wait3A_97 = tpu.memref_squeeze %dma_wait3A_96 : memref<1x128x32xf32, #tpu.memory_space<vmem>> -> memref<128x32xf32, #tpu.memory_space<vmem>>
    %dma_wait3A_98 = arith.constant 0 : i32
    %dma_wait3A_99 = tpu.memref_slice %arg6[%dma_wait3A_93, %dma_wait3A_98] : memref<79x128xi32, #tpu.memory_space<vmem>> -> memref<1x128xi32, #tpu.memory_space<vmem>>
    %dma_wait3A_100 = tpu.memref_squeeze %dma_wait3A_99 : memref<1x128xi32, #tpu.memory_space<vmem>> -> memref<128xi32, #tpu.memory_space<vmem>>
    %dma_wait3A_101 = arith.constant 0 : i32
    %dma_wait3A_102 = arith.constant 0 : i32
    %dma_wait3A_103 = tpu.memref_slice %arg8[%dma_wait3A_101, %dma_wait3A_102] : memref<10240x32xf32, #tpu.memory_space<vmem_shared>> -> memref<10240x32xf32, #tpu.memory_space<vmem_shared>>
    tpu.wait_indirect_dma semaphore(%arg11 : memref<!tpu.dma_semaphore, #tpu.memory_space<semaphore_mem>>) src(%dma_wait3A_97 : memref<128x32xf32, #tpu.memory_space<vmem>>) dst(%dma_wait3A_103 : memref<10240x32xf32, #tpu.memory_space<vmem_shared>>)
    %dma_wait3A_104 = arith.constant 0 : i32
    %dma_wait3A_105 = arith.constant 0 : i32
    %dma_wait3A_106 = arith.constant 0 : i32
    %dma_wait3A_107 = arith.constant 0 : i32
    %dma_wait3A_108 = tpu.memref_slice %arg7[%dma_wait3A_104, %dma_wait3A_106, %dma_wait3A_107] : memref<8x128x32xf32, #tpu.memory_space<vmem>> -> memref<1x128x32xf32, #tpu.memory_space<vmem>>
    %dma_wait3A_109 = tpu.memref_squeeze %dma_wait3A_108 : memref<1x128x32xf32, #tpu.memory_space<vmem>> -> memref<128x32xf32, #tpu.memory_space<vmem>>
    %dma_wait3A_110 = arith.constant 0 : i32
    %dma_wait3A_111 = tpu.memref_slice %arg6[%dma_wait3A_105, %dma_wait3A_110] : memref<79x128xi32, #tpu.memory_space<vmem>> -> memref<1x128xi32, #tpu.memory_space<vmem>>
    %dma_wait3A_112 = tpu.memref_squeeze %dma_wait3A_111 : memref<1x128xi32, #tpu.memory_space<vmem>> -> memref<128xi32, #tpu.memory_space<vmem>>
    %dma_wait3A_113 = arith.constant 0 : i32
    %dma_wait3A_114 = arith.constant 0 : i32
    %dma_wait3A_115 = tpu.memref_slice %arg8[%dma_wait3A_113, %dma_wait3A_114] : memref<10240x32xf32, #tpu.memory_space<vmem_shared>> -> memref<10240x32xf32, #tpu.memory_space<vmem_shared>>
    tpu.wait_indirect_dma semaphore(%arg11 : memref<!tpu.dma_semaphore, #tpu.memory_space<semaphore_mem>>) src(%dma_wait3A_109 : memref<128x32xf32, #tpu.memory_space<vmem>>) dst(%dma_wait3A_115 : memref<10240x32xf32, #tpu.memory_space<vmem_shared>>)
    %barrier3A_116 = arith.constant 0 : index
    tpu.barrier barrier_id(%barrier3A_116)
    "tpu.region"() ({
      %run_scoped3A_117 = tpu.sem_alloc : memref<!tpu.dma_semaphore, #tpu.memory_space<semaphore_mem>>
      %dma_start3A_118 = arith.constant 0 : i32
      %dma_start3A_119 = tpu.memref_slice %arg4[%arg0, %mul3A_2, %dma_start3A_118] : memref<2x10240x32xf32, #tpu.memory_space<hbm>> -> memref<1x640x32xf32, #tpu.memory_space<hbm>>
      %dma_start3A_120 = tpu.memref_squeeze %dma_start3A_119 : memref<1x640x32xf32, #tpu.memory_space<hbm>> -> memref<640x32xf32, #tpu.memory_space<hbm>>
      %dma_start3A_121 = arith.constant 0 : i32
      %dma_start3A_122 = tpu.memref_slice %arg8[%mul3A_2, %dma_start3A_121] : memref<10240x32xf32, #tpu.memory_space<vmem_shared>> -> memref<640x32xf32, #tpu.memory_space<vmem_shared>>
      tpu.enqueue_dma source(%dma_start3A_122 : memref<640x32xf32, #tpu.memory_space<vmem_shared>>) target(%dma_start3A_120 : memref<640x32xf32, #tpu.memory_space<hbm>>) target_semaphore(%run_scoped3A_117 : memref<!tpu.dma_semaphore, #tpu.memory_space<semaphore_mem>>)
      %dma_wait3A_123 = arith.constant 0 : i32
      %dma_wait3A_124 = tpu.memref_slice %arg4[%arg0, %mul3A_2, %dma_wait3A_123] : memref<2x10240x32xf32, #tpu.memory_space<hbm>> -> memref<1x640x32xf32, #tpu.memory_space<hbm>>
      %dma_wait3A_125 = tpu.memref_squeeze %dma_wait3A_124 : memref<1x640x32xf32, #tpu.memory_space<hbm>> -> memref<640x32xf32, #tpu.memory_space<hbm>>
      %dma_wait3A_126 = arith.constant 0 : i32
      %dma_wait3A_127 = tpu.memref_slice %arg8[%mul3A_2, %dma_wait3A_126] : memref<10240x32xf32, #tpu.memory_space<vmem_shared>> -> memref<640x32xf32, #tpu.memory_space<vmem_shared>>
      tpu.wait_dma2 semaphore(%run_scoped3A_117 : memref<!tpu.dma_semaphore, #tpu.memory_space<semaphore_mem>>) src(%dma_wait3A_127 : memref<640x32xf32, #tpu.memory_space<vmem_shared>>) dst(%dma_wait3A_125 : memref<640x32xf32, #tpu.memory_space<hbm>>)
      tpu.yield
    }) : () -> ()
    return
  }
}

#map = affine_map<(d0, d1) -> (0)>
#map1 = affine_map<(d0, d1) -> (0, 0, 0)>
#map2 = affine_map<(d0, d1) -> (0, 0)>
module attributes {stable_mosaic.version = 14 : i64} {
  func.func @_sc_deg(%arg0: i32, %arg1: i32, %arg2: memref<10240xf32, #tpu.memory_space<hbm>>, %arg3: memref<2x2500x128xi32, #tpu.memory_space<hbm>>, %arg4: memref<2x10240xf32, #tpu.memory_space<hbm>>, %arg5: memref<79x128xi32, #tpu.memory_space<vmem>>, %arg6: memref<128xf32, #tpu.memory_space<vmem>>, %arg7: memref<10240xf32, #tpu.memory_space<vmem_shared>>, %arg8: memref<!tpu.dma_semaphore, #tpu.memory_space<semaphore_mem>>) attributes {dimension_semantics = [#tpu.dimension_semantics<core_parallel>, #tpu.dimension_semantics<subcore_parallel>], iteration_bounds = array<i64: 2, 16>, scalar_prefetch = 0 : i64, scratch_operands = 4 : i64, tpu.core_type = #tpu.core_type<sc_vector_subcore>, window_params = [{transform_indices = #map}, {transform_indices = #map1}, {transform_indices = #map2}]} {
    %mul3A = arith.constant 16 : i32
    %mul3A_0 = arith.muli %arg0, %mul3A : i32
    %add3A = arith.addi %mul3A_0, %arg1 : i32
    %mul3A_1 = arith.constant 640 : i32
    %mul3A_2 = arith.muli %arg1, %mul3A_1 : i32
    %mul3A_3 = arith.constant 79 : i32
    %mul3A_4 = arith.muli %add3A, %mul3A_3 : i32
    %min3A = arith.constant 2421 : i32
    %min3A_5 = arith.minsi %mul3A_4, %min3A : i32
    %sub3A = arith.subi %mul3A_4, %min3A_5 : i32
    %run_scoped3A = arith.constant 1 : i32
    "tpu.region"() ({
      %run_scoped3A_62 = tpu.sem_alloc : memref<!tpu.dma_semaphore, #tpu.memory_space<semaphore_mem>>
      %dma_start3A = arith.constant 0 : i32
      %dma_start3A_63 = tpu.memref_slice %arg3[%run_scoped3A, %min3A_5, %dma_start3A] : memref<2x2500x128xi32, #tpu.memory_space<hbm>> -> memref<1x79x128xi32, #tpu.memory_space<hbm>>
      %dma_start3A_64 = tpu.memref_squeeze %dma_start3A_63 : memref<1x79x128xi32, #tpu.memory_space<hbm>> -> memref<79x128xi32, #tpu.memory_space<hbm>>
      %dma_start3A_65 = arith.constant 0 : i32
      %dma_start3A_66 = tpu.memref_slice %arg3[%run_scoped3A, %min3A_5, %dma_start3A_65] : memref<2x2500x128xi32, #tpu.memory_space<hbm>> -> memref<1x79x128xi32, #tpu.memory_space<hbm>>
      %dma_start3A_67 = tpu.memref_squeeze %dma_start3A_66 : memref<1x79x128xi32, #tpu.memory_space<hbm>> -> memref<79x128xi32, #tpu.memory_space<hbm>>
      tpu.enqueue_dma source(%dma_start3A_67 : memref<79x128xi32, #tpu.memory_space<hbm>>) target(%arg5 : memref<79x128xi32, #tpu.memory_space<vmem>>) target_semaphore(%run_scoped3A_62 : memref<!tpu.dma_semaphore, #tpu.memory_space<semaphore_mem>>)
      %dma_wait3A = arith.constant 0 : i32
      %dma_wait3A_68 = tpu.memref_slice %arg3[%run_scoped3A, %min3A_5, %dma_wait3A] : memref<2x2500x128xi32, #tpu.memory_space<hbm>> -> memref<1x79x128xi32, #tpu.memory_space<hbm>>
      %dma_wait3A_69 = tpu.memref_squeeze %dma_wait3A_68 : memref<1x79x128xi32, #tpu.memory_space<hbm>> -> memref<79x128xi32, #tpu.memory_space<hbm>>
      %dma_wait3A_70 = arith.constant 0 : i32
      %dma_wait3A_71 = tpu.memref_slice %arg3[%run_scoped3A, %min3A_5, %dma_wait3A_70] : memref<2x2500x128xi32, #tpu.memory_space<hbm>> -> memref<1x79x128xi32, #tpu.memory_space<hbm>>
      %dma_wait3A_72 = tpu.memref_squeeze %dma_wait3A_71 : memref<1x79x128xi32, #tpu.memory_space<hbm>> -> memref<79x128xi32, #tpu.memory_space<hbm>>
      tpu.wait_dma2 semaphore(%run_scoped3A_62 : memref<!tpu.dma_semaphore, #tpu.memory_space<semaphore_mem>>) src(%dma_wait3A_72 : memref<79x128xi32, #tpu.memory_space<hbm>>) dst(%arg5 : memref<79x128xi32, #tpu.memory_space<vmem>>)
      tpu.yield
    }) : () -> ()
    %broadcast_in_dim3A = arith.constant 1.000000e+00 : f32
    %broadcast_in_dim3A_6 = vector.broadcast %broadcast_in_dim3A : f32 to vector<16xf32>
    %swap3A = arith.constant 0 : index
    %swap3A_7 = tpu.vector_load %arg6[%swap3A] {strides = array<i32>} : memref<128xf32, #tpu.memory_space<vmem>>, vector<16xf32>,
    %swap3A_8 = vector.shape_cast %swap3A_7 : vector<16xf32> to vector<16xf32>
    %swap3A_9 = vector.shape_cast %broadcast_in_dim3A_6 : vector<16xf32> to vector<16xf32>
    tpu.vector_store %arg6[%swap3A], %swap3A_9 {strides = array<i32>} : memref<128xf32, #tpu.memory_space<vmem>>, vector<16xf32>,
    %broadcast_in_dim3A_10 = arith.constant 1.000000e+00 : f32
    %broadcast_in_dim3A_11 = vector.broadcast %broadcast_in_dim3A_10 : f32 to vector<16xf32>
    %swap3A_12 = arith.constant 16 : index
    %swap3A_13 = tpu.vector_load %arg6[%swap3A_12] {strides = array<i32>} : memref<128xf32, #tpu.memory_space<vmem>>, vector<16xf32>,
    %swap3A_14 = vector.shape_cast %swap3A_13 : vector<16xf32> to vector<16xf32>
    %swap3A_15 = vector.shape_cast %broadcast_in_dim3A_11 : vector<16xf32> to vector<16xf32>
    tpu.vector_store %arg6[%swap3A_12], %swap3A_15 {strides = array<i32>} : memref<128xf32, #tpu.memory_space<vmem>>, vector<16xf32>,
    %broadcast_in_dim3A_16 = arith.constant 1.000000e+00 : f32
    %broadcast_in_dim3A_17 = vector.broadcast %broadcast_in_dim3A_16 : f32 to vector<16xf32>
    %swap3A_18 = arith.constant 32 : index
    %swap3A_19 = tpu.vector_load %arg6[%swap3A_18] {strides = array<i32>} : memref<128xf32, #tpu.memory_space<vmem>>, vector<16xf32>,
    %swap3A_20 = vector.shape_cast %swap3A_19 : vector<16xf32> to vector<16xf32>
    %swap3A_21 = vector.shape_cast %broadcast_in_dim3A_17 : vector<16xf32> to vector<16xf32>
    tpu.vector_store %arg6[%swap3A_18], %swap3A_21 {strides = array<i32>} : memref<128xf32, #tpu.memory_space<vmem>>, vector<16xf32>,
    %broadcast_in_dim3A_22 = arith.constant 1.000000e+00 : f32
    %broadcast_in_dim3A_23 = vector.broadcast %broadcast_in_dim3A_22 : f32 to vector<16xf32>
    %swap3A_24 = arith.constant 48 : index
    %swap3A_25 = tpu.vector_load %arg6[%swap3A_24] {strides = array<i32>} : memref<128xf32, #tpu.memory_space<vmem>>, vector<16xf32>,
    %swap3A_26 = vector.shape_cast %swap3A_25 : vector<16xf32> to vector<16xf32>
    %swap3A_27 = vector.shape_cast %broadcast_in_dim3A_23 : vector<16xf32> to vector<16xf32>
    tpu.vector_store %arg6[%swap3A_24], %swap3A_27 {strides = array<i32>} : memref<128xf32, #tpu.memory_space<vmem>>, vector<16xf32>,
    %broadcast_in_dim3A_28 = arith.constant 1.000000e+00 : f32
    %broadcast_in_dim3A_29 = vector.broadcast %broadcast_in_dim3A_28 : f32 to vector<16xf32>
    %swap3A_30 = arith.constant 64 : index
    %swap3A_31 = tpu.vector_load %arg6[%swap3A_30] {strides = array<i32>} : memref<128xf32, #tpu.memory_space<vmem>>, vector<16xf32>,
    %swap3A_32 = vector.shape_cast %swap3A_31 : vector<16xf32> to vector<16xf32>
    %swap3A_33 = vector.shape_cast %broadcast_in_dim3A_29 : vector<16xf32> to vector<16xf32>
    tpu.vector_store %arg6[%swap3A_30], %swap3A_33 {strides = array<i32>} : memref<128xf32, #tpu.memory_space<vmem>>, vector<16xf32>,
    %broadcast_in_dim3A_34 = arith.constant 1.000000e+00 : f32
    %broadcast_in_dim3A_35 = vector.broadcast %broadcast_in_dim3A_34 : f32 to vector<16xf32>
    %swap3A_36 = arith.constant 80 : index
    %swap3A_37 = tpu.vector_load %arg6[%swap3A_36] {strides = array<i32>} : memref<128xf32, #tpu.memory_space<vmem>>, vector<16xf32>,
    %swap3A_38 = vector.shape_cast %swap3A_37 : vector<16xf32> to vector<16xf32>
    %swap3A_39 = vector.shape_cast %broadcast_in_dim3A_35 : vector<16xf32> to vector<16xf32>
    tpu.vector_store %arg6[%swap3A_36], %swap3A_39 {strides = array<i32>} : memref<128xf32, #tpu.memory_space<vmem>>, vector<16xf32>,
    %broadcast_in_dim3A_40 = arith.constant 1.000000e+00 : f32
    %broadcast_in_dim3A_41 = vector.broadcast %broadcast_in_dim3A_40 : f32 to vector<16xf32>
    %swap3A_42 = arith.constant 96 : index
    %swap3A_43 = tpu.vector_load %arg6[%swap3A_42] {strides = array<i32>} : memref<128xf32, #tpu.memory_space<vmem>>, vector<16xf32>,
    %swap3A_44 = vector.shape_cast %swap3A_43 : vector<16xf32> to vector<16xf32>
    %swap3A_45 = vector.shape_cast %broadcast_in_dim3A_41 : vector<16xf32> to vector<16xf32>
    tpu.vector_store %arg6[%swap3A_42], %swap3A_45 {strides = array<i32>} : memref<128xf32, #tpu.memory_space<vmem>>, vector<16xf32>,
    %broadcast_in_dim3A_46 = arith.constant 1.000000e+00 : f32
    %broadcast_in_dim3A_47 = vector.broadcast %broadcast_in_dim3A_46 : f32 to vector<16xf32>
    %swap3A_48 = arith.constant 112 : index
    %swap3A_49 = tpu.vector_load %arg6[%swap3A_48] {strides = array<i32>} : memref<128xf32, #tpu.memory_space<vmem>>, vector<16xf32>,
    %swap3A_50 = vector.shape_cast %swap3A_49 : vector<16xf32> to vector<16xf32>
    %swap3A_51 = vector.shape_cast %broadcast_in_dim3A_47 : vector<16xf32> to vector<16xf32>
    tpu.vector_store %arg6[%swap3A_48], %swap3A_51 {strides = array<i32>} : memref<128xf32, #tpu.memory_space<vmem>>, vector<16xf32>,
    "tpu.region"() ({
      %run_scoped3A_62 = tpu.sem_alloc : memref<!tpu.dma_semaphore, #tpu.memory_space<semaphore_mem>>
      %dma_start3A = tpu.memref_slice %arg7[%mul3A_2] : memref<10240xf32, #tpu.memory_space<vmem_shared>> -> memref<640xf32, #tpu.memory_space<vmem_shared>>
      %dma_start3A_63 = tpu.memref_slice %arg2[%mul3A_2] : memref<10240xf32, #tpu.memory_space<hbm>> -> memref<640xf32, #tpu.memory_space<hbm>>
      tpu.enqueue_dma source(%dma_start3A_63 : memref<640xf32, #tpu.memory_space<hbm>>) target(%dma_start3A : memref<640xf32, #tpu.memory_space<vmem_shared>>) target_semaphore(%run_scoped3A_62 : memref<!tpu.dma_semaphore, #tpu.memory_space<semaphore_mem>>)
      %dma_wait3A = tpu.memref_slice %arg7[%mul3A_2] : memref<10240xf32, #tpu.memory_space<vmem_shared>> -> memref<640xf32, #tpu.memory_space<vmem_shared>>
      %dma_wait3A_64 = tpu.memref_slice %arg2[%mul3A_2] : memref<10240xf32, #tpu.memory_space<hbm>> -> memref<640xf32, #tpu.memory_space<hbm>>
      tpu.wait_dma2 semaphore(%run_scoped3A_62 : memref<!tpu.dma_semaphore, #tpu.memory_space<semaphore_mem>>) src(%dma_wait3A_64 : memref<640xf32, #tpu.memory_space<hbm>>) dst(%dma_wait3A : memref<640xf32, #tpu.memory_space<vmem_shared>>)
      tpu.yield
    }) : () -> ()
    %barrier3A = arith.constant 0 : index
    tpu.barrier barrier_id(%barrier3A)
    %while3A = arith.constant 0 : i32
    %while3A_52 = arith.constant 79 : i32
    %while3A_53 = arith.subi %while3A_52, %sub3A : i32
    %while3A_54 = arith.addi %sub3A, %while3A_53 : i32
    %while3A_55 = arith.constant 1 : i32
    %while3A_56 = arith.divsi %while3A_53, %while3A_55 : i32
    %while3A_57 = arith.muli %while3A_56, %while3A_55 : i32
    %while3A_58 = arith.addi %sub3A, %while3A_57 : i32
    %while3A_59 = arith.constant 1 : i32
    scf.for %while3A_62 = %sub3A to %while3A_58 step %while3A_59  : i32 {
      "tpu.region"() ({
        %run_scoped3A_63 = tpu.sem_alloc : memref<!tpu.dma_semaphore, #tpu.memory_space<semaphore_mem>>
        %dma_start3A = arith.constant 0 : i32
        %dma_start3A_64 = tpu.memref_slice %arg5[%while3A_62, %dma_start3A] : memref<79x128xi32, #tpu.memory_space<vmem>> -> memref<1x128xi32, #tpu.memory_space<vmem>>
        %dma_start3A_65 = tpu.memref_squeeze %dma_start3A_64 : memref<1x128xi32, #tpu.memory_space<vmem>> -> memref<128xi32, #tpu.memory_space<vmem>>
        %dma_start3A_66 = arith.constant 0 : i32
        %dma_start3A_67 = tpu.memref_slice %arg7[%dma_start3A_66] : memref<10240xf32, #tpu.memory_space<vmem_shared>> -> memref<10240xf32, #tpu.memory_space<vmem_shared>>
        tpu.enqueue_indirect_dma source(%arg6 : memref<128xf32, #tpu.memory_space<vmem>>) target(%dma_start3A_67 : memref<10240xf32, #tpu.memory_space<vmem_shared>>) offsets(%dma_start3A_65 : memref<128xi32, #tpu.memory_space<vmem>>) semaphore(%run_scoped3A_63 : memref<!tpu.dma_semaphore, #tpu.memory_space<semaphore_mem>>) {add = true}
        %dma_wait3A = arith.constant 0 : i32
        %dma_wait3A_68 = tpu.memref_slice %arg5[%while3A_62, %dma_wait3A] : memref<79x128xi32, #tpu.memory_space<vmem>> -> memref<1x128xi32, #tpu.memory_space<vmem>>
        %dma_wait3A_69 = tpu.memref_squeeze %dma_wait3A_68 : memref<1x128xi32, #tpu.memory_space<vmem>> -> memref<128xi32, #tpu.memory_space<vmem>>
        %dma_wait3A_70 = arith.constant 0 : i32
        %dma_wait3A_71 = tpu.memref_slice %arg7[%dma_wait3A_70] : memref<10240xf32, #tpu.memory_space<vmem_shared>> -> memref<10240xf32, #tpu.memory_space<vmem_shared>>
        tpu.wait_indirect_dma semaphore(%run_scoped3A_63 : memref<!tpu.dma_semaphore, #tpu.memory_space<semaphore_mem>>) src(%arg6 : memref<128xf32, #tpu.memory_space<vmem>>) dst(%dma_wait3A_71 : memref<10240xf32, #tpu.memory_space<vmem_shared>>)
        tpu.yield
      }) : () -> ()
    }
    %while3A_60 = arith.constant 1 : i32
    scf.for %while3A_62 = %while3A_58 to %while3A_54 step %while3A_60  : i32 {
      "tpu.region"() ({
        %run_scoped3A_63 = tpu.sem_alloc : memref<!tpu.dma_semaphore, #tpu.memory_space<semaphore_mem>>
        %dma_start3A = arith.constant 0 : i32
        %dma_start3A_64 = tpu.memref_slice %arg5[%while3A_62, %dma_start3A] : memref<79x128xi32, #tpu.memory_space<vmem>> -> memref<1x128xi32, #tpu.memory_space<vmem>>
        %dma_start3A_65 = tpu.memref_squeeze %dma_start3A_64 : memref<1x128xi32, #tpu.memory_space<vmem>> -> memref<128xi32, #tpu.memory_space<vmem>>
        %dma_start3A_66 = arith.constant 0 : i32
        %dma_start3A_67 = tpu.memref_slice %arg7[%dma_start3A_66] : memref<10240xf32, #tpu.memory_space<vmem_shared>> -> memref<10240xf32, #tpu.memory_space<vmem_shared>>
        tpu.enqueue_indirect_dma source(%arg6 : memref<128xf32, #tpu.memory_space<vmem>>) target(%dma_start3A_67 : memref<10240xf32, #tpu.memory_space<vmem_shared>>) offsets(%dma_start3A_65 : memref<128xi32, #tpu.memory_space<vmem>>) semaphore(%run_scoped3A_63 : memref<!tpu.dma_semaphore, #tpu.memory_space<semaphore_mem>>) {add = true}
        %dma_wait3A = arith.constant 0 : i32
        %dma_wait3A_68 = tpu.memref_slice %arg5[%while3A_62, %dma_wait3A] : memref<79x128xi32, #tpu.memory_space<vmem>> -> memref<1x128xi32, #tpu.memory_space<vmem>>
        %dma_wait3A_69 = tpu.memref_squeeze %dma_wait3A_68 : memref<1x128xi32, #tpu.memory_space<vmem>> -> memref<128xi32, #tpu.memory_space<vmem>>
        %dma_wait3A_70 = arith.constant 0 : i32
        %dma_wait3A_71 = tpu.memref_slice %arg7[%dma_wait3A_70] : memref<10240xf32, #tpu.memory_space<vmem_shared>> -> memref<10240xf32, #tpu.memory_space<vmem_shared>>
        tpu.wait_indirect_dma semaphore(%run_scoped3A_63 : memref<!tpu.dma_semaphore, #tpu.memory_space<semaphore_mem>>) src(%arg6 : memref<128xf32, #tpu.memory_space<vmem>>) dst(%dma_wait3A_71 : memref<10240xf32, #tpu.memory_space<vmem_shared>>)
        tpu.yield
      }) : () -> ()
    }
    %barrier3A_61 = arith.constant 0 : index
    tpu.barrier barrier_id(%barrier3A_61)
    "tpu.region"() ({
      %run_scoped3A_62 = tpu.sem_alloc : memref<!tpu.dma_semaphore, #tpu.memory_space<semaphore_mem>>
      %dma_start3A = tpu.memref_slice %arg4[%arg0, %mul3A_2] : memref<2x10240xf32, #tpu.memory_space<hbm>> -> memref<1x640xf32, #tpu.memory_space<hbm>>
      %dma_start3A_63 = tpu.memref_squeeze %dma_start3A : memref<1x640xf32, #tpu.memory_space<hbm>> -> memref<640xf32, #tpu.memory_space<hbm>>
      %dma_start3A_64 = tpu.memref_slice %arg7[%mul3A_2] : memref<10240xf32, #tpu.memory_space<vmem_shared>> -> memref<640xf32, #tpu.memory_space<vmem_shared>>
      tpu.enqueue_dma source(%dma_start3A_64 : memref<640xf32, #tpu.memory_space<vmem_shared>>) target(%dma_start3A_63 : memref<640xf32, #tpu.memory_space<hbm>>) target_semaphore(%run_scoped3A_62 : memref<!tpu.dma_semaphore, #tpu.memory_space<semaphore_mem>>)
      %dma_wait3A = tpu.memref_slice %arg4[%arg0, %mul3A_2] : memref<2x10240xf32, #tpu.memory_space<hbm>> -> memref<1x640xf32, #tpu.memory_space<hbm>>
      %dma_wait3A_65 = tpu.memref_squeeze %dma_wait3A : memref<1x640xf32, #tpu.memory_space<hbm>> -> memref<640xf32, #tpu.memory_space<hbm>>
      %dma_wait3A_66 = tpu.memref_slice %arg7[%mul3A_2] : memref<10240xf32, #tpu.memory_space<vmem_shared>> -> memref<640xf32, #tpu.memory_space<vmem_shared>>
      tpu.wait_dma2 semaphore(%run_scoped3A_62 : memref<!tpu.dma_semaphore, #tpu.memory_space<semaphore_mem>>) src(%dma_wait3A_66 : memref<640xf32, #tpu.memory_space<vmem_shared>>) dst(%dma_wait3A_65 : memref<640xf32, #tpu.memory_space<hbm>>)
      tpu.yield
    }) : () -> ()
    return
  }
}

module attributes {stable_mosaic.version = 14 : i64} {
  func.func @_mm1_body(%arg0: memref<10000x128xf32, #tpu.memory_space<vmem>>, %arg1: memref<128x32xf32, #tpu.memory_space<vmem>>, %arg2: memref<2x10240x1xf32, #tpu.memory_space<vmem>>, %arg3: memref<10240x32xf32, #tpu.memory_space<vmem>>, %arg4: memref<10240x1xf32, #tpu.memory_space<vmem>>) attributes {dimension_semantics = [], scalar_prefetch = 0 : i64, scratch_operands = 0 : i64, tpu.core_type = #tpu.core_type<tc>} {
    %get3A = arith.constant 0 : index
    %get3A_0 = arith.constant 0 : index
    %get3A_1 = arith.constant 0 : index
    %get3A_2 = vector.load %arg2[%get3A, %get3A_0, %get3A_1] : memref<2x10240x1xf32, #tpu.memory_space<vmem>>, vector<1x10240x1xf32>
    %get3A_3 = vector.shape_cast %get3A_2 : vector<1x10240x1xf32> to vector<10240x1xf32>
    %get3A_4 = arith.constant 1 : index
    %get3A_5 = arith.constant 0 : index
    %get3A_6 = arith.constant 0 : index
    %get3A_7 = vector.load %arg2[%get3A_4, %get3A_5, %get3A_6] : memref<2x10240x1xf32, #tpu.memory_space<vmem>>, vector<1x10240x1xf32>
    %get3A_8 = vector.shape_cast %get3A_7 : vector<1x10240x1xf32> to vector<10240x1xf32>
    %add3A = arith.addf %get3A_3, %get3A_8 : vector<10240x1xf32>
    %add3A_9 = arith.constant 1.000000e+00 : f32
    %add3A_10 = vector.broadcast %add3A_9 : f32 to vector<10240x1xf32>
    %add3A_11 = arith.addf %add3A, %add3A_10 : vector<10240x1xf32>
    %rsqrt3A = math.rsqrt %add3A_11 : vector<10240x1xf32>
    %get3A_12 = arith.constant 0 : index
    %get3A_13 = arith.constant 0 : index
    %get3A_14 = vector.load %arg0[%get3A_12, %get3A_13] : memref<10000x128xf32, #tpu.memory_space<vmem>>, vector<10000x128xf32>
    %get3A_15 = arith.constant 0 : index
    %get3A_16 = arith.constant 0 : index
    %get3A_17 = vector.load %arg1[%get3A_15, %get3A_16] : memref<128x32xf32, #tpu.memory_space<vmem>>, vector<128x32xf32>
    %dot_general3A = arith.constant dense<0.000000e+00> : vector<10000x32xf32>
    %dot_general3A_18 = tpu.matmul %get3A_14, %get3A_17, %dot_general3A {dimension_numbers = #tpu.dot_dimension_numbers<[1], [0], [0], [1], [0, 0, 1, 1], [], []>, transpose_lhs_hint = false} : vector<10000x128xf32>, vector<128x32xf32>, vector<10000x32xf32> -> vector<10000x32xf32>
    %slice3A = vector.extract_strided_slice %rsqrt3A {offsets = [0, 0], sizes = [10000, 1], strides = [1, 1]} : vector<10240x1xf32> to vector<10000x1xf32>
    %mul3A = vector.broadcast %slice3A : vector<10000x1xf32> to vector<10000x32xf32>
    %mul3A_19 = arith.mulf %dot_general3A_18, %mul3A : vector<10000x32xf32>
    %swap3A = arith.constant 0 : index
    %swap3A_20 = arith.constant 0 : index
    %swap3A_21 = vector.load %arg3[%swap3A, %swap3A_20] : memref<10240x32xf32, #tpu.memory_space<vmem>>, vector<10000x32xf32>
    tpu.vector_store %arg3[%swap3A, %swap3A_20], %mul3A_19 {strides = array<i32>} : memref<10240x32xf32, #tpu.memory_space<vmem>>, vector<10000x32xf32>,
    %broadcast_in_dim3A = arith.constant 0.000000e+00 : f32
    %broadcast_in_dim3A_22 = vector.broadcast %broadcast_in_dim3A : f32 to vector<240x32xf32>
    %swap3A_23 = arith.constant 10000 : index
    %swap3A_24 = arith.constant 0 : index
    %swap3A_25 = vector.load %arg3[%swap3A_23, %swap3A_24] : memref<10240x32xf32, #tpu.memory_space<vmem>>, vector<240x32xf32>
    tpu.vector_store %arg3[%swap3A_23, %swap3A_24], %broadcast_in_dim3A_22 {strides = array<i32>} : memref<10240x32xf32, #tpu.memory_space<vmem>>, vector<240x32xf32>,
    %swap3A_26 = arith.constant 0 : index
    %swap3A_27 = arith.constant 0 : index
    %swap3A_28 = vector.load %arg4[%swap3A_26, %swap3A_27] : memref<10240x1xf32, #tpu.memory_space<vmem>>, vector<10240x1xf32>
    tpu.vector_store %arg4[%swap3A_26, %swap3A_27], %rsqrt3A {strides = array<i32>} : memref<10240x1xf32, #tpu.memory_space<vmem>>, vector<10240x1xf32>,
    return
  }
}

module attributes {stable_mosaic.version = 14 : i64} {
  func.func @_mid_body(%arg0: memref<2x10240x32xf32, #tpu.memory_space<vmem>>, %arg1: memref<10240x32xf32, #tpu.memory_space<vmem>>, %arg2: memref<10240x1xf32, #tpu.memory_space<vmem>>, %arg3: memref<1x32xf32, #tpu.memory_space<vmem>>, %arg4: memref<10240x32xf32, #tpu.memory_space<vmem>>) attributes {dimension_semantics = [], scalar_prefetch = 0 : i64, scratch_operands = 0 : i64, tpu.core_type = #tpu.core_type<tc>} {
    %get3A = arith.constant 0 : index
    %get3A_0 = arith.constant 0 : index
    %get3A_1 = vector.load %arg2[%get3A, %get3A_0] : memref<10240x1xf32, #tpu.memory_space<vmem>>, vector<10240x1xf32>
    %get3A_2 = arith.constant 0 : index
    %get3A_3 = arith.constant 0 : index
    %get3A_4 = arith.constant 0 : index
    %get3A_5 = vector.load %arg0[%get3A_2, %get3A_3, %get3A_4] : memref<2x10240x32xf32, #tpu.memory_space<vmem>>, vector<1x10240x32xf32>
    %get3A_6 = vector.shape_cast %get3A_5 : vector<1x10240x32xf32> to vector<10240x32xf32>
    %get3A_7 = arith.constant 1 : index
    %get3A_8 = arith.constant 0 : index
    %get3A_9 = arith.constant 0 : index
    %get3A_10 = vector.load %arg0[%get3A_7, %get3A_8, %get3A_9] : memref<2x10240x32xf32, #tpu.memory_space<vmem>>, vector<1x10240x32xf32>
    %get3A_11 = vector.shape_cast %get3A_10 : vector<1x10240x32xf32> to vector<10240x32xf32>
    %add3A = arith.addf %get3A_6, %get3A_11 : vector<10240x32xf32>
    %get3A_12 = arith.constant 0 : index
    %get3A_13 = arith.constant 0 : index
    %get3A_14 = vector.load %arg1[%get3A_12, %get3A_13] : memref<10240x32xf32, #tpu.memory_space<vmem>>, vector<10240x32xf32>
    %sub3A = arith.subf %add3A, %get3A_14 : vector<10240x32xf32>
    %mul3A = vector.broadcast %get3A_1 : vector<10240x1xf32> to vector<10240x32xf32>
    %mul3A_15 = arith.mulf %mul3A, %sub3A : vector<10240x32xf32>
    %get3A_16 = arith.constant 0 : index
    %get3A_17 = arith.constant 0 : index
    %get3A_18 = vector.load %arg3[%get3A_16, %get3A_17] : memref<1x32xf32, #tpu.memory_space<vmem>>, vector<1x32xf32>
    %add3A_19 = vector.broadcast %get3A_18 : vector<1x32xf32> to vector<10240x32xf32>
    %add3A_20 = arith.addf %mul3A_15, %add3A_19 : vector<10240x32xf32>
    %max3A = arith.constant 0.000000e+00 : f32
    %max3A_21 = vector.broadcast %max3A : f32 to vector<10240x32xf32>
    %max3A_22 = arith.maximumf %add3A_20, %max3A_21 : vector<10240x32xf32>
    %get3A_23 = arith.constant 0 : index
    %get3A_24 = arith.constant 0 : index
    %get3A_25 = vector.load %arg2[%get3A_23, %get3A_24] : memref<10240x1xf32, #tpu.memory_space<vmem>>, vector<10240x1xf32>
    %mul3A_26 = vector.broadcast %get3A_25 : vector<10240x1xf32> to vector<10240x32xf32>
    %mul3A_27 = arith.mulf %mul3A_26, %max3A_22 : vector<10240x32xf32>
    %swap3A = arith.constant 0 : index
    %swap3A_28 = arith.constant 0 : index
    %swap3A_29 = vector.load %arg4[%swap3A, %swap3A_28] : memref<10240x32xf32, #tpu.memory_space<vmem>>, vector<10240x32xf32>
    tpu.vector_store %arg4[%swap3A, %swap3A_28], %mul3A_27 {strides = array<i32>} : memref<10240x32xf32, #tpu.memory_space<vmem>>, vector<10240x32xf32>,
    return
  }
}

module attributes {stable_mosaic.version = 14 : i64} {
  func.func @_fin_body(%arg0: memref<2x10240x32xf32, #tpu.memory_space<vmem>>, %arg1: memref<10240x32xf32, #tpu.memory_space<vmem>>, %arg2: memref<10240x1xf32, #tpu.memory_space<vmem>>, %arg3: memref<32x16xf32, #tpu.memory_space<vmem>>, %arg4: memref<1x16xf32, #tpu.memory_space<vmem>>, %arg5: memref<32x16xf32, #tpu.memory_space<vmem>>, %arg6: memref<1x16xf32, #tpu.memory_space<vmem>>, %arg7: memref<10240x16xf32, #tpu.memory_space<vmem>>, %arg8: memref<10240x16xf32, #tpu.memory_space<vmem>>) attributes {dimension_semantics = [], scalar_prefetch = 0 : i64, scratch_operands = 0 : i64, tpu.core_type = #tpu.core_type<tc>} {
    %get3A = arith.constant 0 : index
    %get3A_0 = arith.constant 0 : index
    %get3A_1 = vector.load %arg2[%get3A, %get3A_0] : memref<10240x1xf32, #tpu.memory_space<vmem>>, vector<10240x1xf32>
    %get3A_2 = arith.constant 0 : index
    %get3A_3 = arith.constant 0 : index
    %get3A_4 = arith.constant 0 : index
    %get3A_5 = vector.load %arg0[%get3A_2, %get3A_3, %get3A_4] : memref<2x10240x32xf32, #tpu.memory_space<vmem>>, vector<1x10240x32xf32>
    %get3A_6 = vector.shape_cast %get3A_5 : vector<1x10240x32xf32> to vector<10240x32xf32>
    %get3A_7 = arith.constant 1 : index
    %get3A_8 = arith.constant 0 : index
    %get3A_9 = arith.constant 0 : index
    %get3A_10 = vector.load %arg0[%get3A_7, %get3A_8, %get3A_9] : memref<2x10240x32xf32, #tpu.memory_space<vmem>>, vector<1x10240x32xf32>
    %get3A_11 = vector.shape_cast %get3A_10 : vector<1x10240x32xf32> to vector<10240x32xf32>
    %add3A = arith.addf %get3A_6, %get3A_11 : vector<10240x32xf32>
    %get3A_12 = arith.constant 0 : index
    %get3A_13 = arith.constant 0 : index
    %get3A_14 = vector.load %arg1[%get3A_12, %get3A_13] : memref<10240x32xf32, #tpu.memory_space<vmem>>, vector<10240x32xf32>
    %sub3A = arith.subf %add3A, %get3A_14 : vector<10240x32xf32>
    %mul3A = vector.broadcast %get3A_1 : vector<10240x1xf32> to vector<10240x32xf32>
    %mul3A_15 = arith.mulf %mul3A, %sub3A : vector<10240x32xf32>
    %get3A_16 = arith.constant 0 : index
    %get3A_17 = arith.constant 0 : index
    %get3A_18 = vector.load %arg3[%get3A_16, %get3A_17] : memref<32x16xf32, #tpu.memory_space<vmem>>, vector<32x16xf32>
    %dot_general3A = arith.constant dense<0.000000e+00> : vector<10240x16xf32>
    %dot_general3A_19 = tpu.matmul %mul3A_15, %get3A_18, %dot_general3A {dimension_numbers = #tpu.dot_dimension_numbers<[1], [0], [0], [1], [0, 0, 1, 1], [], []>, transpose_lhs_hint = false} : vector<10240x32xf32>, vector<32x16xf32>, vector<10240x16xf32> -> vector<10240x16xf32>
    %get3A_20 = arith.constant 0 : index
    %get3A_21 = arith.constant 0 : index
    %get3A_22 = vector.load %arg4[%get3A_20, %get3A_21] : memref<1x16xf32, #tpu.memory_space<vmem>>, vector<1x16xf32>
    %add3A_23 = vector.broadcast %get3A_22 : vector<1x16xf32> to vector<10240x16xf32>
    %add3A_24 = arith.addf %dot_general3A_19, %add3A_23 : vector<10240x16xf32>
    %swap3A = arith.constant 0 : index
    %swap3A_25 = arith.constant 0 : index
    %swap3A_26 = vector.load %arg7[%swap3A, %swap3A_25] : memref<10240x16xf32, #tpu.memory_space<vmem>>, vector<10240x16xf32>
    tpu.vector_store %arg7[%swap3A, %swap3A_25], %add3A_24 {strides = array<i32>} : memref<10240x16xf32, #tpu.memory_space<vmem>>, vector<10240x16xf32>,
    %get3A_27 = arith.constant 0 : index
    %get3A_28 = arith.constant 0 : index
    %get3A_29 = vector.load %arg5[%get3A_27, %get3A_28] : memref<32x16xf32, #tpu.memory_space<vmem>>, vector<32x16xf32>
    %dot_general3A_30 = arith.constant dense<0.000000e+00> : vector<10240x16xf32>
    %dot_general3A_31 = tpu.matmul %mul3A_15, %get3A_29, %dot_general3A_30 {dimension_numbers = #tpu.dot_dimension_numbers<[1], [0], [0], [1], [0, 0, 1, 1], [], []>, transpose_lhs_hint = false} : vector<10240x32xf32>, vector<32x16xf32>, vector<10240x16xf32> -> vector<10240x16xf32>
    %get3A_32 = arith.constant 0 : index
    %get3A_33 = arith.constant 0 : index
    %get3A_34 = vector.load %arg6[%get3A_32, %get3A_33] : memref<1x16xf32, #tpu.memory_space<vmem>>, vector<1x16xf32>
    %add3A_35 = vector.broadcast %get3A_34 : vector<1x16xf32> to vector<10240x16xf32>
    %add3A_36 = arith.addf %dot_general3A_31, %add3A_35 : vector<10240x16xf32>
    %swap3A_37 = arith.constant 0 : index
    %swap3A_38 = arith.constant 0 : index
    %swap3A_39 = vector.load %arg8[%swap3A_37, %swap3A_38] : memref<10240x16xf32, #tpu.memory_space<vmem>>, vector<10240x16xf32>
    tpu.vector_store %arg8[%swap3A_37, %swap3A_38], %add3A_36 {strides = array<i32>} : memref<10240x16xf32, #tpu.memory_space<vmem>>, vector<10240x16xf32>,
    return
  }
}

</mosaic_0001>

<sc_bundles>
// kernel: kernel.11.cloned.1.call-start
scs
__scs_entry_jumppad:
0x0: {  	(pc) =	sbr.rel $0x88, $3  }
0x1: {  	(tag) =	ssettag $0x0;
	lr =	simm.s32 $0x1  }
0x2: {  	[smem:$0x3F99] =	sst lr;
	_ =	strace $0xD0000000  }
0x3: {  	_ = 	snop  }
0x4: {  	_ = 	snop  }
0x5: {  	_ = 	snop  }
0x6: {  	_ = 	snop  }
0x7: {  	_ = 	snop  }
__scs_overlays_trampoline_lowered:
0x8: {  	[smem:$0x3FA8] =	sst s0  }
0x9: {  	[smem:$0x3FA9] =	sst s1  }
0xa: {  	[smem:$0x3FAA] =	sst s2  }
0xb: {  	[smem:$0x3FAB] =	sst s3  }
0xc: {  	[smem:$0x3FAC] =	sst s4  }
0xd: {  	[smem:$0x3FAD] =	sst s5  }
0xe: {  	[smem:$0x3FAE] =	sst s6  }
0xf: {  	[smem:$0x3FAF] =	sst s7  }
0x10: {  	[smem:$0x3FB0] =	sst s8  }
0x11: {  	[smem:$0x3FB1] =	sst s9;
	s0 =	simm.s32 @!p0 $0x0  }
0x12: {  	s1 =	sld [smem:$0x3F97];
	s0 =	simm.s32 @p0 $0x1  }
0x13: {  	[smem:$0x3FB2] =	sst s0;
	s0 =	simm.s32 @!p1 $0x0  }
0x14: {  	s2 =	sld [smem:$0x3F96];
	s0 =	simm.s32 @p1 $0x1  }
0x15: {  	[smem:$0x3FB3] =	sst s0;
	s0 =	simm.s32 @!p2 $0x0  }
0x16: {  	s3 =	sld [smem:$0x3FDB];
	s0 =	simm.s32 @p2 $0x1  }
0x17: {  	s4 =	simm.s32 $0x1BF5;
	[smem:$0x3FB5] =	sst s0  }
0x18: {  	s0 =	sld [smem:$0x3F98];
	_ =	swait.ge [sflag:s4], $0x0  }
0x19: {  	s7 =	sld [smem:$0x3F99]  }
0x1a: {  	s8 =	sadd.s32 $0xFFFFE003, lr  }
0x1b: {  	s9 =	sadd.s32 $0xFFFFFEF7, lr;
	s5 =	simm.s32 $0xFFFFFFFF;
	p2 =	slt.u32 s8, $0xFFFFF086  }
0x1c: {  	p1 =	slt.u32 s9, $0xF7A;
	s5 =	simm.s32 @!p2 $0x0  }
0x1d: {  	s5 =	simm.s32 @p1 $0x1;
	p0 =	seq.s32 s7, s2  }
0x1e: {  	s7 =	smul.u32 @!p0 $0xF7A, s2;
	p2 =	seq.s32 @!p0 s5, $0x0  }
0x1f: {  	s9 =	smul.u32 $0xF7A, s1;
	s8 =	simm.s32 @!p0 $0x1BF5;
	p2 =	por !p2, p0  }
0x20: {  	[sflag:s8] =	ssyncset.s32 @!p0 $0xFFFFF086;
	s6 =	sadd.s32 @!p0 s3, s7;
	s7 =	simm.s32 @!p0 $0x108  }
0x21: {  	s3 =	sadd.s32 s3, s9;
	s6 =	sadd.s32 @!p0 $0x88, s6;
	s7 =	simm.s32 @p2 $0x1082  }
0x22: {  	[simem:s7], [sflag:s8] =	dma.local @!p0 [hbm:s6], $0xF7A  }
0x23: {  	s9 =	sor.u32 $0xD0000000, s2;
	s6 =	simm.s32 $0x108;
	_ =	swait.ge @!p0 [sflag:s8], $0x0  }
0x24: {  	s3 =	sadd.s32 $0x88, s3;
	s6 =	simm.s32 @!p1 $0x1082;
	[sflag:s4] =	ssyncset.s32 $0xFFFFF086  }
0x25: {  	[simem:s6], [sflag:s4] =	dma.local [hbm:s3], $0xF7A  }
0x26: {  	[smem:$0x3F99] =	sst s1;
	(tag) =	ssettag s2;
	_ =	strace s9  }
0x27: {  	s1 =	sld [smem:$0x3FA9]  }
0x28: {  	s2 =	sld [smem:$0x3FAA]  }
0x29: {  	s4 =	sld [smem:$0x3FAC]  }
0x2a: {  	p0 =	seq.s32 s5, $0x0;
	s5 =	sld [smem:$0x3FAD]  }
0x2b: {  	s6 =	sld [smem:$0x3FAE]  }
0x2c: {  	s7 =	sld [smem:$0x3FAF]  }
0x2d: {  	s3 =	simm.s32 $0x108;
	s8 =	sld [smem:$0x3FB0]  }
0x2e: {  	s3 =	simm.s32 @!p0 $0x1082;
	s9 =	sld [smem:$0x3FB1]  }
0x2f: {  	lr =	sadd.s32 s0, s3;
	s0 =	sld [smem:$0x3FA8]  }
0x30: {  	s3 =	sld [smem:$0x3FAB]  }
0x31: {  	[smem:$0x3FB4] =	sst s10  }
0x32: {  	s10 =	sld [smem:$0x3FB2];
	_ =	sdelay $0x3  }
0x33: {  	p0 =	seq.s32 s10, $0x1;
	s10 =	sld [smem:$0x3FB4];
	_ =	sdelay $0x3  }
0x34: {  	[smem:$0x3FB4] =	sst s10  }
0x35: {  	s10 =	sld [smem:$0x3FB3];
	_ =	sdelay $0x3  }
0x36: {  	p1 =	seq.s32 s10, $0x1;
	s10 =	sld [smem:$0x3FB4];
	_ =	sdelay $0x3  }
0x37: {  	[smem:$0x3FB4] =	sst s10  }
0x38: {  	s10 =	sld [smem:$0x3FB5]  }
0x39: {  	_ = 	snop;
	(pc) =	sbr.ind lr, $3  }
0x3a: {  	_ = 	snop  }
0x3b: {  	_ = 	snop  }
0x3c: {  	p2 =	seq.s32 s10, $0x1;
	s10 =	sld [smem:$0x3FB4]  }
0x3d: {  	_ =	shalt  }
0x3e: {  	_ =	shalt  }
0x3f: {  	_ =	shalt  }
0x40: {  	_ =	shalt  }
0x41: {  	_ =	shalt  }
0x42: {  	_ =	shalt  }
0x43: {  	_ =	shalt  }
0x44: {  	_ =	shalt  }
0x45: {  	_ =	shalt  }
0x46: {  	_ =	shalt  }
0x47: {  	_ =	shalt  }
0x48: {  	_ =	shalt  }
0x49: {  	_ =	shalt  }
0x4a: {  	_ =	shalt  }
0x4b: {  	_ =	shalt  }
0x4c: {  	_ =	shalt  }
0x4d: {  	_ =	shalt  }
0x4e: {  	_ =	shalt  }
0x4f: {  	_ =	shalt  }
0x50: {  	_ =	shalt  }
0x51: {  	_ =	shalt  }
0x52: {  	_ =	shalt  }
0x53: {  	_ =	shalt  }
0x54: {  	_ =	shalt  }
0x55: {  	_ =	shalt  }
0x56: {  	_ =	shalt  }
0x57: {  	_ =	shalt  }
0x58: {  	_ =	shalt  }
0x59: {  	_ =	shalt  }
0x5a: {  	_ =	shalt  }
0x5b: {  	_ =	shalt  }
0x5c: {  	_ =	shalt  }
0x5d: {  	_ =	shalt  }
0x5e: {  	_ =	shalt  }
0x5f: {  	_ =	shalt  }
0x60: {  	_ =	shalt  }
0x61: {  	_ =	shalt  }
0x62: {  	_ =	shalt  }
0x63: {  	_ =	shalt  }
0x64: {  	_ =	shalt  }
0x65: {  	_ =	shalt  }
0x66: {  	_ =	shalt  }
0x67: {  	_ =	shalt  }
0x68: {  	_ =	shalt  }
0x69: {  	_ =	shalt  }
0x6a: {  	_ =	shalt  }
0x6b: {  	_ =	shalt  }
0x6c: {  	_ =	shalt  }
0x6d: {  	_ =	shalt  }
0x6e: {  	_ =	shalt  }
0x6f: {  	_ =	shalt  }
0x70: {  	_ =	shalt  }
0x71: {  	_ =	shalt  }
0x72: {  	_ =	shalt  }
0x73: {  	_ =	shalt  }
0x74: {  	_ =	shalt  }
0x75: {  	_ =	shalt  }
0x76: {  	_ =	shalt  }
0x77: {  	_ =	shalt  }
0x78: {  	_ =	shalt  }
0x79: {  	_ =	shalt  }
0x7a: {  	_ =	shalt  }
0x7b: {  	_ =	shalt  }
0x7c: {  	_ =	shalt  }
0x7d: {  	_ =	shalt  }
0x7e: {  	_ =	shalt  }
0x7f: {  	_ =	shalt  }
0x80: {  	_ =	shalt  }
0x81: {  	_ =	shalt  }
0x82: {  	_ =	shalt  }
0x83: {  	_ =	shalt  }
0x84: {  	_ =	shalt  }
0x85: {  	_ =	shalt  }
0x86: {  	_ =	shalt  }
0x87: {  	_ =	shalt  }
.Lfunc_end0:
.L_simem_size_0:
called_computation.1_lowered:
.L_overlay_start_0:
0x88: {  	s2 =	sld [smem:$0x3FD9]  }
0x89: {  	s3 =	sld [smem:$0x3FFE];
	_ =	sdelay $0x1  }
0x8a: {  	s1 =	srdreg.scid  }
0x8b: {  	s0 =	sand.u32 $0x1, s1  }
0x8c: {  	s16 =	sshll.u32 s0, $0xA;
	s2 =	sadd.s32 s3, s2  }
0x8d: {  	s2 =	sadd.s32 s2, s16  }
0x8e: {  	[smem:$0x3FC0] =	sst s2  }
0x8f: {  	_ = 	snop  }
0x90: {  	(tm) =	ssettm $0x1  }
0x91: {  	s17 =	sld [smem:$0x3FFB];
	_ =	sdelay $0x3  }
0x92: {  	_ =	strace s17  }
0x93: {  	s2 =	sld [smem:$0x3FFC];
	_ =	sdelay $0x3  }
0x94: {  	_ =	strace s2  }
0x95: {  	s2 =	sld [smem:$0x3FFD];
	_ =	sdelay $0x3  }
0x96: {  	_ =	strace s2  }
0x97: {  	_ =	strace $0x8FFFFFFF  }
0x98: {  	s18 =	sld [smem:$0x3FDB];
	_ =	sdelay $0x1  }
0x99: {  	s19 =	simm.s32 $_scs_section_size  }
0x9a: {  	s4 =	simm.s32 $_size__tile_overlayer_lowered;
	s5 =	simm.s32 $_tile_overlayer_lowered  }
0x9b: {  	s22 =	simm.s32 $0x1BFF;
	s21 =	sshll.u32 s5, $0x1;
	s2 =	sadd.s32 s19, s18  }
0x9c: {  	s6 =	simm.s32 $0x0;
	s20 =	sshll.u32 s4, $0x1;
	s4 =	sadd.s32 s21, s2  }
0x9d: {  	[timem:s6], [sflag:s22] =	dma.local [hbm:s4], s20  }
0x9e: {  	_ =	swait.ge [sflag:s22], s20  }
0x9f: {  	s3 =	ssub.s32 $0x0, s20;
	[sflag:s22] =	ssyncset.done $0x0  }
0xa0: {  	[sflag:s22] =	ssyncadd.s32 s3;
	_ =	sdelay $0x1  }
0xa1: {  	s23 =	simm.s32 $0x1B8B  }
0xa2: {  	_ =	swait.ge [sflag:s23], $0x1  }
0xa3: {  	[sflag:s23] =	ssyncset.done $0x0  }
0xa4: {  	s25 =	simm.s32 $0x1B8E;
	s24 =	sld [smem:$0x3FFE];
	[sflag:s23] =	ssyncadd.s32 $0xFFFFFFFF  }
0xa5: {  	s26 =	simm.s32 $execute0_lowered;
	[smem:$0x3FD2] =	sst s25  }
0xa6: {  	s4 =	sshll.u32 s26, $0x1;
	_ =	strace $0x80000049;
	[dreg:$0x1] =	wrdreg $0xFFFFFFFF  }
0xa7: {  	s28 =	simm.s32 $_size_execute0_lowered;
	s2 =	sadd.s32 s2, s4;
	[dreg:$0x0] =	wrdreg $0x0  }
0xa8: {  	s4 =	sshll.u32 s28, $0x1;
	[dreg:$0x2] =	wrdreg s2  }
0xa9: {  	[dreg:$0x3] =	wrdreg s4  }
0xaa: {  	[dreg:$0x4] =	wrdreg $0xC0  }
0xab: {  	_ =	task [dreg:s6], $0x5FFFF  }
0xac: {  	[dreg:$0x1] =	wrdreg $0xFFFFFFFF  }
0xad: {  	[dreg:$0x0] =	wrdreg $0x60  }
0xae: {  	[dreg:$0x2] =	wrdreg s24  }
0xaf: {  	[dreg:$0x3] =	wrdreg $0xCF000  }
0xb0: {  	[dreg:$0x4] =	wrdreg $0x11F000  }
0xb1: {  	[dreg:$0x5] =	wrdreg $0x9  }
0xb2: {  	_ =	task.clear_ibuf [dreg:s6], $0x6FFFF;
	_ =	strace $0x90000049  }
0xb3: {  	s29 =	simm.s32 $0x9;
	_ =	strace $0x8000004B  }
0xb4: {  	_ =	swait.ge [sflag:s29], $0x1  }
0xb5: {  	[sflag:s29] =	ssyncadd.s32 $0xFFFFFFFF  }
0xb6: {  	_ =	strace $0x9000004B  }
0xb7: {  	_ =	sfence  }
0xb8: {  	s30 =	sld [smem:$0x0];
	_ =	sdelay $0x2  }
0xb9: {  	s31 =	sshll.u32 s1, $0xD;
	s1 =	sshrl.u32 s1, $0x2  }
0xba: {  	s3 =	sand.u32 $0x4000, s31;
	s1 =	sadd.s32 s1, s30  }
0xbb: {  	s0 =	sor.u32 s3, s0;
	s1 =	sshll.u32 s1, $0x11  }
0xbc: {  	s0 =	sor.u32 s1, s0  }
0xbd: {  	s0 =	sadd.s32 $0x8F2B, s0  }
0xbe: {  	[sflag:s0] =	ssyncadd.remote.s32 $0x1  }
0xbf: {  	_ =	sfence.sel $0xFFFF  }
0xc0: {  	[dreg:$0x0] =	wrdreg $0xFFFFFFFF;
	(pc) =	sbr.abs _section_cstart, $3  }
0xc1: {  	[dreg:$0x1] =	wrdreg $0xFFFFFFFF  }
0xc2: {  	_ =	task.clear_ibuf [dreg:s6], $0x2FFFF;
	_ =	strace $0x9FFFFFFF  }
0xc3: {  	(tm) =	ssettm $0x7FFFFFFF  }
tec
execute0_lowered:
.L_overlay_start_1:
0x0: {  	(tag) =	ssettag $0x1  }
0x1: {  	s0 =	srdreg.scid;
	s1 =	rddreg [dreg:$0x0]  }
0x2: {  	s2 =	rddreg [dreg:$0x1];
	s15 =	stileid.u32  }
0x3: {  	s3 =	rddreg [dreg:$0x2];
	s23 =	simm.s32 $0x0;
	s29 =	simm.s32 $0x3  }
0x4: {  	s31 =	simm.s32 $0x80;
	s30 =	simm.s32 $0x1;
	s6 =	smul.u32 $0x5000, s15  }
0x5: {  	s0 =	sand.u32 $0x1, s0;
	[smem:$0x7FF] =	sst s23;
	s12 =	smul.u32 $0x4F, s15  }
0x6: {  	s4 =	sshll.u32 s0, $0x4;
	s5 =	smul.u32 $0x50000, s0;
	_ =	strace $0x8000004A  }
0x7: {  	s10 =	ssub.s32 $0x2, s0;
	s4 =	sor.u32 s15, s4;
	s7 =	sshrl.u32 s6, $0x3  }
0x8: {  	s25 =	sshrl.u32 s10, $0x1;
	s4 =	smul.u32 $0x4F, s4;
	s5 =	sadd.s32 s6, s5  }
0x9: {  	s7 =	sadd.s32 s7, s1;
	s11 =	ssub.s32 s10, s25;
	s5 =	sshrl.u32 s5, $0x3  }
0xa: {  	s25 =	smax.u32 s11, $0x1;
	s11 =	smul.u32 $0x9E00, s15;
	s8 =	smin.u32 s4, $0x975  }
0xb: {  	s9 =	sshll.u32 s8, $0x4;
	s4 =	ssub.s32 s4, s8;
	s8 =	smul.u32 $0x4F0, s0  }
0xc: {  	s0 =	smul.u32 $0x9E000, s0;
	s9 =	sadd.s32 s9, s1;
	s1 =	sadd.s32 s5, s1  }
0xd: {  	s5 =	ssub.s32 $0x4F, s4;
	s13 =	sshll.u32 s4, $0x9;
	p0 =	sgt.s32 s4, $0x4E  }
0xe: {  	s24 =	sadd.s32 $0x2400, s9;
	s16 =	sadd.s32 $0xC040, s9;
	s26 =	sadd.s32 s12, s8  }
0xf: {  	s9 =	sadd.s32 $0x15E00, s7;
	s10 =	sshra.s32 s13, $0x2;
	s14 =	smin.u32 s26, $0x975  }
0x10: {  	s22 =	sadd.s32 $0x1FE00, s1;
	s0 =	sadd.s32 s11, s0;
	s7 =	ssub.s32 s14, s26  }
0x11: {  	s17 =	ssub.s32 s14, s12;
	s26 =	sadd.s32 $0x200, s13;
	s12 =	sadd.s32 $0x400, s13  }
0x12: {  	s14 =	sshll.u32 s14, $0x9;
	s13 =	sadd.s32 $0x600, s13;
	s1 =	sadd.s32 $0x4F, s7  }
0x13: {  	s17 =	ssub.s32 s17, s8;
	[dreg:$0x4] =	wrdreg s26;
	s7 =	sshra.s32 s26, $0x2  }
0x14: {  	s0 =	ssub.s32 s0, s14;
	[dreg:$0x5] =	wrdreg s12;
	s26 =	sshra.s32 s12, $0x2  }
0x15: {  	s11 =	sshra.s32 s13, $0x2;
	p1 =	slt.s32 @!p0 s1, $0x2;
	s14 =	sadd.s32 $0x200, s7  }
0x16: {  	s12 =	sadd.s32 $0x200, s26;
	s8 =	sadd.s32 $0x800, s0;
	s0 =	sadd.s32 $0x1000, s0  }
0x17: {  	s28 =	sadd.s32 $0x200, s11;
	s11 =	sadd.s32 $0x2780, s10;
	p1 =	por p0, p1  }
0x18: {  	s0 =	sshra.s32 s0, $0x2;
	p2 =	seq.s32 @!p1 s1, $0x2;
	p4 =	sgt.s32 @!p1 s4, $0x49  }
0x19: {  	[dreg:$0xb] =	wrdreg s11;
	p2 =	por p1, p2;
	s7 =	simm.s32 @!p4 $0x0  }
0x1a: {  	p3 =	seq.s32 @!p2 s1, $0x3;
	s7 =	simm.s32 @p4 $0x1;
	p4 =	sgt.s32 @!p2 s4, $0x48  }
0x1b: {  	[smem:$0x7F7] =	sst s7;
	s7 =	simm.s32 @!p4 $0x0;
	p3 =	por p2, p3  }
0x1c: {  	[dreg:$0x6] =	wrdreg s12;
	s7 =	simm.s32 @p4 $0x1;
	p4 =	sgt.s32 @!p3 s4, $0x47  }
0x1d: {  	p5 =	sgt.s32 @!p0 s4, $0x4A;
	[dreg:$0x8] =	wrdreg s0;
	s4 =	simm.s32 @!p4 $0x0  }
0x1e: {  	s19 =	sadd.s32 s6, s2;
	[smem:$0x7F8] =	sst s7;
	s4 =	simm.s32 @p4 $0x1  }
0x1f: {  	s6 =	sadd.s32 s6, s3;
	[smem:$0x7FA] =	sst s4;
	s4 =	sshra.s32 s8, $0x2  }
0x20: {  	s20 =	sadd.s32 $0x80, s10;
	s26 =	sadd.s32 $0x2780, s4;
	s4 =	sld [smem:$0x7F7]  }
0x21: {  	s18 =	sadd.s32 $0x100, s10;
	p6 =	por p5, p0;
	[dreg:$0x7] =	wrdreg s26  }
0x22: {  	s0 =	simm.s32 @!p6 $0x0;
	s26 =	sshrl.u32 s6, $0x3;
	s6 =	sld [smem:$0x7F8]  }
0x23: {  	[dreg:$0x9] =	wrdreg s14;
	s0 =	simm.s32 @p6 $0x1;
	p4 =	seq.s32 @!p3 s1, $0x4  }
0x24: {  	[smem:$0x7F6] =	sst s0;
	p4 =	por p3, p4;
	p6 =	seq.s32 s4, $0x1  }
0x25: {  	s7 =	sld [smem:$0x7FA];
	p6 =	por p6, p1;
	p5 =	seq.s32 s6, $0x1  }
0x26: {  	s8 =	sadd.s32 $0x200, s10;
	p5 =	por p5, p2;
	s4 =	simm.s32 @!p6 $0x0  }
0x27: {  	[dreg:$0xa] =	wrdreg s8;
	s0 =	simm.s32 @!p5 $0x0;
	s4 =	simm.s32 @p6 $0x1  }
.Ltmp0:
0x28: {  	s0 =	simm.s32 @p5 $0x1;
	p5 =	seq.s32 s7, $0x1;
	(pc) =	sbr.rel .LBB2_1-.Ltmp0, $4  }
0x29: {  	[smem:$0x7F9] =	sst s0;
	p5 =	por p5, p3;
	s0 =	simm.s32 @!p4 $0x0  }
0x2a: {  	[smem:$0x7FC] =	sst s4;
	s0 =	simm.s32 @p4 $0x1;
	s4 =	simm.s32 @!p5 $0x0  }
0x2b: {  	s21 =	sadd.s32 $0x180, s10;
	[smem:$0x7FB] =	sst s0;
	s4 =	simm.s32 @p5 $0x1  }
0x2c: {  	s1 =	simm.s32 $0x0;
	s0 =	simm.s32 $0x2;
	[smem:$0x7FD] =	sst s4  }
.LBB2_3:
0x2d: {  	s24 =	rddreg [dreg:$0x8]  }
0x2e: {  	s23 =	rddreg [dreg:$0x7]  }
.LBB2_8:
0x2f: {  	[spmem:s2] =	stream.indirect.scatter.add.f32 @p5 [tilespmem:s15], [sflag:$0x2], $0x20, s8, s31, $0xb8;
	[tilespmem:$0x16F00] =	vst v63  }
0x30: {  	p4 =	sge.s32 s11, s5  }
0x31: {  	_ =	swait.ge [sflag:s0], $0x1000;
	s8 =	sadd.s32 @!p4 $0x4000, s7  }
0x32: {  	[sflag:s0] =	ssyncset.done $0x0;
	s8 =	sand.u32 @!p4 $0x7000, s8  }
0x33: {  	s11 =	simm.s32 @!p4 $0x80;
	[sflag:s0] =	ssyncadd.s32 $0xFFFFF000;
	s8 =	sadd.s32 @!p4 $0x4F00, s8  }
0x34: {  	[tilespmem:s8], [sflag:$0x1] =	stream.indirect.gather @!p4 [spmem:s3], $0x20, s24, s11, $0xb8;
	[tilespmem:$0x16F00] =	vst v63  }
0x35: {  	s15 =	stileid.u32;
	s8 =	sand.u32 $0x7000, s7  }
0x36: {  	s24 =	smov.u32 s16;
	s16 =	smov.u32 s19;
	s19 =	smov.u32 s20  }
0x37: {  	s20 =	smov.u32 s18;
	s18 =	smov.u32 s10;
	s10 =	smov.u32 s21  }
0x38: {  	s21 =	smov.u32 s22;
	s22 =	smov.u32 s25;
	_ =	swait.ge [sflag:s30], $0x1000  }
0x39: {  	s25 =	smov.u32 s14;
	[sflag:s30] =	ssyncset.done $0x0;
	s11 =	sld [smem:$0x7FD]  }
0x3a: {  	s7 =	sadd.s32 $0x4F00, s8;
	s14 =	rddreg [dreg:$0x9];
	[sflag:s30] =	ssyncadd.s32 $0xFFFFF000  }
0x3b: {  	[spmem:s2] =	stream.indirect.scatter.add.f32 [tilespmem:s7], [sflag:$0x2], $0x20, s23, s31, $0xb8;
	[tilespmem:$0x16F00] =	vst v63  }
0x3c: {  	s12 =	rddreg [dreg:$0x6];
	s23 =	simm.s32 $0x0;
	p5 =	seq.s32 s11, $0x1  }
.LBB2_9:
0x3d: {  	_ =	swait.ge [sflag:s0], $0x1000  }
0x3e: {  	[sflag:s0] =	ssyncset.done $0x0  }
0x3f: {  	[sflag:s0] =	ssyncadd.s32 $0xFFFFF000  }
0x40: {  	_ =	swait.ge [sflag:s0], $0x1000  }
0x41: {  	[sflag:s0] =	ssyncset.done $0x0  }
0x42: {  	[sflag:s0] =	ssyncadd.s32 $0xFFFFF000  }
0x43: {  	_ =	swait.ge [sflag:s0], $0x1000  }
0x44: {  	[sflag:s0] =	ssyncset.done $0x0  }
0x45: {  	[sflag:s0] =	ssyncadd.s32 $0xFFFFF000  }
0x46: {  	_ =	swait.ge [sflag:s0], $0x1000  }
0x47: {  	s1 =	sadd.s32 $0x1, s1;
	[sflag:s0] =	ssyncset.done $0x0  }
0x48: {  	p4 =	sne.s32 s1, s25;
	[sflag:s0] =	ssyncadd.s32 $0xFFFFF000  }
.Ltmp1:
0x49: {  	[bflag:$0x0] =	sbarrier.arrive $0xFFFF;
	(pc) =	sbr.rel @!p4 .LBB2_10-.Ltmp1, $4  }
0x4a: {  	[hbm:s22], [sflag:s4] =	dma.local [spmem:s6], $0xA00  }
0x4b: {  	_ =	swait.ge [sflag:s29], $0xA00  }
0x4c: {  	[sflag:s29] =	ssyncset.done $0x0  }
0x4d: {  	[sflag:s29] =	ssyncadd.s32 $0xFFFFF600  }
.LBB2_1:
0x4e: {  	[tilespmem:s23], [sflag:$0x3] =	stream.linear.gather [hbm4b:s24+s23], $0x2780, $0x38;
	[tilespmem:$0x16F00] =	vst v63  }
0x4f: {  	_ =	swait.ge [sflag:s29], $0x2780  }
0x50: {  	[sflag:s29] =	ssyncset.done $0x0  }
0x51: {  	s4 =	simm.s32 $0x2780;
	[sflag:s29] =	ssyncadd.s32 $0xFFFFD880  }
0x52: {  	[tilespmem:s4], [sflag:$0x3] =	stream.linear.gather [hbm4b:s16+s23], $0x2780, $0x38;
	[tilespmem:$0x16F00] =	vst v63  }
0x53: {  	_ =	swait.ge [sflag:s29], $0x2780  }
0x54: {  	s7 =	sshll.u32 s15, $0x6;
	[sflag:s29] =	ssyncset.done $0x0  }
0x55: {  	s6 =	sshrl.u32 s19, $0x3;
	s4 =	sor.u32 $0x1C03, s7;
	[sflag:s29] =	ssyncadd.s32 $0xFFFFD880  }
0x56: {  	[spmem:s6], [sflag:s4] =	dma.local [hbm:s9], $0xA00  }
0x57: {  	_ =	swait.ge [sflag:s29], $0xA00  }
0x58: {  	[sflag:s29] =	ssyncset.done $0x0  }
0x59: {  	[sflag:s29] =	ssyncadd.s32 $0xFFFFF600  }
0x5a: {  	[spmem:s26], [sflag:s4] =	dma.local [hbm:s9], $0xA00  }
0x5b: {  	_ =	swait.ge [sflag:s29], $0xA00  }
0x5c: {  	[sflag:s29] =	ssyncset.done $0x0  }
0x5d: {  	[sflag:s29] =	ssyncadd.s32 $0xFFFFF600  }
0x5e: {  	s7 =	simm.s32 $0x4F00;
	[bflag:$0x0] =	sbarrier.arrive $0xFFFF  }
0x5f: {  	[tilespmem:s7], [sflag:$0x1] =	stream.indirect.gather [spmem:s3], $0x20, s10, s31, $0xb8;
	[tilespmem:$0x16F00] =	vst v63  }
0x60: {  	s8 =	simm.s32 $0x5F00  }
0x61: {  	[tilespmem:s8], [sflag:$0x1] =	stream.indirect.gather [spmem:s3], $0x20, s20, s31, $0xb8;
	[tilespmem:$0x16F00] =	vst v63  }
0x62: {  	s11 =	simm.s32 $0x6F00  }
0x63: {  	[tilespmem:s11], [sflag:$0x1] =	stream.indirect.gather [spmem:s3], $0x20, s18, s31, $0xb8;
	[tilespmem:$0x16F00] =	vst v63  }
0x64: {  	s11 =	sld [smem:$0x7F6]  }
0x65: {  	s8 =	simm.s32 $0x7F00  }
0x66: {  	[tilespmem:s8], [sflag:$0x1] =	stream.indirect.gather [spmem:s3], $0x20, s21, s31, $0xb8;
	[tilespmem:$0x16F00] =	vst v63  }
0x67: {  	p4 =	seq.s32 s11, $0x1  }
0x68: {  	s11 =	rddreg [dreg:$0xa];
	s7 =	simm.s32 @!p4 $0x80;
	s8 =	simm.s32 @!p4 $0x8F00  }
0x69: {  	[tilespmem:s8], [sflag:$0x1] =	stream.indirect.gather @!p4 [spmem:s3], $0x20, s11, s7, $0xb8;
	[tilespmem:$0x16F00] =	vst v63  }
0x6a: {  	s7 =	simm.s32 @!p0 $0x1  }
0x6b: {  	_ =	swait.ge @!p0 [sflag:s7], $0x1000  }
0x6c: {  	s8 =	simm.s32 @!p0 $0x4F00;
	[sflag:s7] =	ssyncset.done @!p0 $0x0  }
0x6d: {  	s11 =	rddreg [dreg:$0xb];
	[sflag:s7] =	ssyncadd.s32 @!p0 $0xFFFFF000;
	s7 =	simm.s32 @!p0 $0x80  }
0x6e: {  	[spmem:s2] =	stream.indirect.scatter.add.f32 @!p0 [tilespmem:s8], [sflag:$0x2], $0x20, s11, s7, $0xb8;
	[tilespmem:$0x16F00] =	vst v63  }
0x6f: {  	s7 =	simm.s32 @!p6 $0x80;
	s8 =	simm.s32 @!p6 $0x9F00  }
0x70: {  	[tilespmem:s8], [sflag:$0x1] =	stream.indirect.gather @!p6 [spmem:s3], $0x20, s14, s7, $0xb8;
	[tilespmem:$0x16F00] =	vst v63  }
0x71: {  	s7 =	simm.s32 @!p1 $0x1  }
0x72: {  	_ =	swait.ge @!p1 [sflag:s7], $0x1000  }
0x73: {  	[sflag:s7] =	ssyncset.done @!p1 $0x0  }
0x74: {  	[sflag:s7] =	ssyncadd.s32 @!p1 $0xFFFFF000;
	s7 =	rddreg [dreg:$0x4]  }
0x75: {  	s7 =	sshra.s32 @!p1 s7, $0x2  }
0x76: {  	s11 =	simm.s32 @!p1 $0x5F00;
	s8 =	simm.s32 @!p1 $0x80;
	s7 =	sadd.s32 @!p1 $0x2780, s7  }
0x77: {  	[spmem:s2] =	stream.indirect.scatter.add.f32 @!p1 [tilespmem:s11], [sflag:$0x2], $0x20, s7, s8, $0xb8;
	[tilespmem:$0x16F00] =	vst v63  }
0x78: {  	s8 =	sld [smem:$0x7F9];
	_ =	sdelay $0x2  }
0x79: {  	p4 =	seq.s32 s8, $0x1  }
0x7a: {  	s7 =	simm.s32 @!p4 $0x80;
	s8 =	simm.s32 @!p4 $0xAF00  }
0x7b: {  	[tilespmem:s8], [sflag:$0x1] =	stream.indirect.gather @!p4 [spmem:s3], $0x20, s12, s7, $0xb8;
	[tilespmem:$0x16F00] =	vst v63  }
0x7c: {  	s7 =	simm.s32 @!p2 $0x1  }
0x7d: {  	_ =	swait.ge @!p2 [sflag:s7], $0x1000  }
0x7e: {  	[sflag:s7] =	ssyncset.done @!p2 $0x0  }
0x7f: {  	[sflag:s7] =	ssyncadd.s32 @!p2 $0xFFFFF000;
	s7 =	rddreg [dreg:$0x5]  }
0x80: {  	s7 =	sshra.s32 @!p2 s7, $0x2  }
0x81: {  	s11 =	simm.s32 @!p2 $0x6F00;
	s8 =	simm.s32 @!p2 $0x80;
	s7 =	sadd.s32 @!p2 $0x2780, s7  }
0x82: {  	[spmem:s2] =	stream.indirect.scatter.add.f32 @!p2 [tilespmem:s11], [sflag:$0x2], $0x20, s7, s8, $0xb8;
	[tilespmem:$0x16F00] =	vst v63  }
0x83: {  	s7 =	simm.s32 @!p5 $0x80;
	s8 =	simm.s32 @!p5 $0xBF00  }
0x84: {  	[tilespmem:s8], [sflag:$0x1] =	stream.indirect.gather @!p5 [spmem:s3], $0x20, s28, s7, $0xb8;
	[tilespmem:$0x16F00] =	vst v63  }
0x85: {  	s7 =	simm.s32 @!p3 $0x1  }
0x86: {  	_ =	swait.ge @!p3 [sflag:s7], $0x1000  }
0x87: {  	[sflag:s7] =	ssyncset.done @!p3 $0x0  }
0x88: {  	[sflag:s7] =	ssyncadd.s32 @!p3 $0xFFFFF000;
	s7 =	sshra.s32 @!p3 s13, $0x2  }
0x89: {  	s11 =	simm.s32 @!p3 $0x7F00;
	s8 =	simm.s32 @!p3 $0x80;
	s7 =	sadd.s32 @!p3 $0x2780, s7  }
0x8a: {  	[spmem:s2] =	stream.indirect.scatter.add.f32 @!p3 [tilespmem:s11], [sflag:$0x2], $0x20, s7, s8, $0xb8;
	[tilespmem:$0x16F00] =	vst v63  }
0x8b: {  	s11 =	sld [smem:$0x7FB];
	_ =	sdelay $0x2  }
0x8c: {  	p4 =	seq.s32 s11, $0x1  }
.Ltmp2:
0x8d: {  	_ = 	snop;
	(pc) =	sbr.rel @p4 .LBB2_9-.Ltmp2, $1  }
0x8e: {  	_ =	sdelay $0x3  }
0x8f: {  	p4 =	sne.s32 s17, $0xFFFFFFB6  }
.Ltmp3:
0x90: {  	_ = 	snop;
	(pc) =	sbr.rel @!p4 .LBB2_3-.Ltmp3, $4  }
0x91: {  	s14 =	smov.u32 s25;
	s25 =	smov.u32 s22;
	s22 =	smov.u32 s21  }
0x92: {  	s21 =	smov.u32 s10;
	s10 =	smov.u32 s18;
	s18 =	smov.u32 s20  }
0x93: {  	s20 =	smov.u32 s19;
	s19 =	smov.u32 s16;
	s16 =	smov.u32 s24  }
0x94: {  	s7 =	simm.s32 @!p3 $0x4000;
	s11 =	simm.s32 $0x8;
	p5 =	por $0x0, $0x0  }
0x95: {  	p4 =	sle.s32 s5, $0x8  }
0x96: {  	_ =	swait.ge [sflag:s0], $0x1000;
	s8 =	simm.s32 @!p4 $0x8000  }
0x97: {  	[sflag:s0] =	ssyncset.done $0x0;
	s11 =	simm.s32 @!p4 $0x80;
	s8 =	sand.u32 @!p4 $0x7000, s8  }
0x98: {  	s15 =	rddreg [dreg:$0x8];
	[sflag:s0] =	ssyncadd.s32 $0xFFFFF000;
	s8 =	sadd.s32 @!p4 $0x4F00, s8  }
0x99: {  	[tilespmem:s8], [sflag:$0x1] =	stream.indirect.gather @!p4 [spmem:s3], $0x20, s15, s11, $0xb8;
	[tilespmem:$0x16F00] =	vst v63  }
0x9a: {  	s12 =	smov.u32 s26;
	s26 =	smov.u32 s9;
	p4 =	sne.s32 s17, $0xFFFFFFB7  }
.Ltmp4:
0x9b: {  	s9 =	smov.u32 s28;
	s28 =	smov.u32 s13;
	(pc) =	sbr.rel @!p4 .LBB2_5-.Ltmp4, $4  }
0x9c: {  	s13 =	simm.s32 $0xFFFFFFB7;
	s7 =	sand.u32 $0x7000, s7;
	p5 =	por $0x1, $0x1  }
0x9d: {  	s24 =	sadd.s32 $0x80, s15;
	s11 =	simm.s32 $0x9;
	_ =	swait.ge [sflag:s30], $0x1000  }
0x9e: {  	s15 =	sadd.s32 $0x4F00, s7;
	[sflag:s30] =	ssyncset.done $0x0;
	s8 =	rddreg [dreg:$0x7]  }
0x9f: {  	s7 =	simm.s32 $0x5000;
	s23 =	sadd.s32 $0x80, s8;
	[sflag:s30] =	ssyncadd.s32 $0xFFFFF000  }
.LBB2_6:
0xa0: {  	[spmem:s2] =	stream.indirect.scatter.add.f32 [tilespmem:s15], [sflag:$0x2], $0x20, s8, s31, $0xb8;
	[tilespmem:$0x16F00] =	vst v63  }
0xa1: {  	p4 =	sge.s32 s11, s5;
	s11 =	sadd.s32 $0x53, s13;
	s13 =	sadd.s32 $0x1, s13  }
0xa2: {  	p6 =	sne.s32 s17, s13;
	s8 =	sadd.s32 @!p4 $0x4000, s7;
	_ =	swait.ge [sflag:s0], $0x1000  }
0xa3: {  	s15 =	simm.s32 @!p4 $0x80;
	s8 =	sand.u32 @!p4 $0x7000, s8;
	[sflag:s0] =	ssyncset.done $0x0  }
.Ltmp5:
0xa4: {  	s8 =	sadd.s32 @!p4 $0x4F00, s8;
	[sflag:s0] =	ssyncadd.s32 $0xFFFFF000;
	(pc) =	sbr.rel @p6 .LBB2_6-.Ltmp5, $4  }
0xa5: {  	[tilespmem:s8], [sflag:$0x1] =	stream.indirect.gather @!p4 [spmem:s3], $0x20, s24, s15, $0xb8;
	[tilespmem:$0x16F00] =	vst v63  }
0xa6: {  	s24 =	sadd.s32 $0x80, s24;
	s8 =	smov.u32 s23;
	_ =	swait.ge [sflag:s30], $0x1000  }
0xa7: {  	s15 =	sand.u32 $0x7000, s7;
	s23 =	sadd.s32 $0x80, s23;
	[sflag:s30] =	ssyncset.done $0x0  }
0xa8: {  	s7 =	sadd.s32 $0x1000, s7;
	s15 =	sadd.s32 $0x4F00, s15;
	[sflag:s30] =	ssyncadd.s32 $0xFFFFF000  }
.Ltmp6:
0xa9: {  	s13 =	smov.u32 s28;
	s28 =	smov.u32 s9;
	(pc) =	sbr.rel .LBB2_8-.Ltmp6, $3  }
0xaa: {  	s9 =	smov.u32 s26;
	s26 =	smov.u32 s12;
	s12 =	sld [smem:$0x7FC]  }
0xab: {  	_ =	sdelay $0x1  }
0xac: {  	p6 =	seq.s32 s12, $0x1  }
.LBB2_5:
.Ltmp7:
0xad: {  	s13 =	smov.u32 s28;
	s28 =	smov.u32 s9;
	(pc) =	sbr.rel .LBB2_8-.Ltmp7, $3  }
0xae: {  	s9 =	smov.u32 s26;
	s26 =	smov.u32 s12;
	s12 =	sld [smem:$0x7FC]  }
0xaf: {  	_ =	sdelay $0x1  }
0xb0: {  	s8 =	rddreg [dreg:$0x7];
	p6 =	seq.s32 s12, $0x1  }
.LBB2_10:
0xb1: {  	_ =	sfence.sel $0x180000  }
0xb2: {  	[bflag:$0x0] =	sbarrier.arrive $0xFFFF  }
0xb3: {  	_ =	strace $0x9000004A  }
0xb4: {  	[bflag:$0x2] =	sbarrier.arrive $0xFFFF  }
0xb5: {  	p0 =	sne.s32 s15, $0x0;
	s0 =	rddreg [dreg:$0x3]  }
0xb6: {  	s0 =	sadd.s32 @!p0 $0x100000, s0  }
0xb7: {  	[sflag:s0] =	ssyncadd.tile.s32 @!p0 $0x1;
	_ =	shalt  }
.Lfunc_end2:
_tile_overlayer_lowered:
.L_overlay_start_2:
0xb8: {  	(tag) =	ssettag $0x2  }
0xb9: {  	s0 =	rddreg [dreg:$0x0];
	s2 =	stileid.u32  }
0xba: {  	s1 =	rddreg [dreg:$0x1];
	p0 =	sne.s32 s2, $0x0  }
0xbb: {  	s3 =	rddreg [dreg:$0x2];
	[bflag:$0x3] =	sbarrier.arrive $0xFFFF;
	s2 =	simm.s32 @!p0 $0x1C03  }
0xbc: {  	[timem:s3], [sflag:s2] =	dma.local @!p0 [hbm:s0], s1  }
0xbd: {  	s0 =	simm.s32 @!p0 $0x3  }
0xbe: {  	_ =	swait.ge @!p0 [sflag:s0], s1  }
0xbf: {  	s1 =	ssub.s32 @!p0 $0x0, s1;
	[sflag:s0] =	ssyncset.done @!p0 $0x0  }
0xc0: {  	[sflag:s0] =	ssyncadd.s32 @!p0 s1  }
0xc1: {  	[bflag:$0x3] =	sbarrier.arrive $0xFFFF  }
0xc2: {  	_ =	shalt  }

// kernel: kernel.14.cloned.1.call-start
scs
__scs_entry_jumppad:
0x0: {  	(pc) =	sbr.rel $0x88, $3  }
0x1: {  	(tag) =	ssettag $0x0;
	lr =	simm.s32 $0x1  }
0x2: {  	[smem:$0x3F99] =	sst lr;
	_ =	strace $0xD0000000  }
0x3: {  	_ = 	snop  }
0x4: {  	_ = 	snop  }
0x5: {  	_ = 	snop  }
0x6: {  	_ = 	snop  }
0x7: {  	_ = 	snop  }
__scs_overlays_trampoline_lowered:
0x8: {  	[smem:$0x3FA8] =	sst s0  }
0x9: {  	[smem:$0x3FA9] =	sst s1  }
0xa: {  	[smem:$0x3FAA] =	sst s2  }
0xb: {  	[smem:$0x3FAB] =	sst s3  }
0xc: {  	[smem:$0x3FAC] =	sst s4  }
0xd: {  	[smem:$0x3FAD] =	sst s5  }
0xe: {  	[smem:$0x3FAE] =	sst s6  }
0xf: {  	[smem:$0x3FAF] =	sst s7  }
0x10: {  	[smem:$0x3FB0] =	sst s8  }
0x11: {  	[smem:$0x3FB1] =	sst s9;
	s0 =	simm.s32 @!p0 $0x0  }
0x12: {  	s1 =	sld [smem:$0x3F97];
	s0 =	simm.s32 @p0 $0x1  }
0x13: {  	[smem:$0x3FB2] =	sst s0;
	s0 =	simm.s32 @!p1 $0x0  }
0x14: {  	s2 =	sld [smem:$0x3F96];
	s0 =	simm.s32 @p1 $0x1  }
0x15: {  	[smem:$0x3FB3] =	sst s0;
	s0 =	simm.s32 @!p2 $0x0  }
0x16: {  	s3 =	sld [smem:$0x3FDB];
	s0 =	simm.s32 @p2 $0x1  }
0x17: {  	s4 =	simm.s32 $0x1BF5;
	[smem:$0x3FB5] =	sst s0  }
0x18: {  	s0 =	sld [smem:$0x3F98];
	_ =	swait.ge [sflag:s4], $0x0  }
0x19: {  	s7 =	sld [smem:$0x3F99]  }
0x1a: {  	s8 =	sadd.s32 $0xFFFFE003, lr  }
0x1b: {  	s9 =	sadd.s32 $0xFFFFFEF7, lr;
	s5 =	simm.s32 $0xFFFFFFFF;
	p2 =	slt.u32 s8, $0xFFFFF086  }
0x1c: {  	p1 =	slt.u32 s9, $0xF7A;
	s5 =	simm.s32 @!p2 $0x0  }
0x1d: {  	s5 =	simm.s32 @p1 $0x1;
	p0 =	seq.s32 s7, s2  }
0x1e: {  	s7 =	smul.u32 @!p0 $0xF7A, s2;
	p2 =	seq.s32 @!p0 s5, $0x0  }
0x1f: {  	s9 =	smul.u32 $0xF7A, s1;
	s8 =	simm.s32 @!p0 $0x1BF5;
	p2 =	por !p2, p0  }
0x20: {  	[sflag:s8] =	ssyncset.s32 @!p0 $0xFFFFF086;
	s6 =	sadd.s32 @!p0 s3, s7;
	s7 =	simm.s32 @!p0 $0x108  }
0x21: {  	s3 =	sadd.s32 s3, s9;
	s6 =	sadd.s32 @!p0 $0x88, s6;
	s7 =	simm.s32 @p2 $0x1082  }
0x22: {  	[simem:s7], [sflag:s8] =	dma.local @!p0 [hbm:s6], $0xF7A  }
0x23: {  	s9 =	sor.u32 $0xD0000000, s2;
	s6 =	simm.s32 $0x108;
	_ =	swait.ge @!p0 [sflag:s8], $0x0  }
0x24: {  	s3 =	sadd.s32 $0x88, s3;
	s6 =	simm.s32 @!p1 $0x1082;
	[sflag:s4] =	ssyncset.s32 $0xFFFFF086  }
0x25: {  	[simem:s6], [sflag:s4] =	dma.local [hbm:s3], $0xF7A  }
0x26: {  	[smem:$0x3F99] =	sst s1;
	(tag) =	ssettag s2;
	_ =	strace s9  }
0x27: {  	s1 =	sld [smem:$0x3FA9]  }
0x28: {  	s2 =	sld [smem:$0x3FAA]  }
0x29: {  	s4 =	sld [smem:$0x3FAC]  }
0x2a: {  	p0 =	seq.s32 s5, $0x0;
	s5 =	sld [smem:$0x3FAD]  }
0x2b: {  	s6 =	sld [smem:$0x3FAE]  }
0x2c: {  	s7 =	sld [smem:$0x3FAF]  }
0x2d: {  	s3 =	simm.s32 $0x108;
	s8 =	sld [smem:$0x3FB0]  }
0x2e: {  	s3 =	simm.s32 @!p0 $0x1082;
	s9 =	sld [smem:$0x3FB1]  }
0x2f: {  	lr =	sadd.s32 s0, s3;
	s0 =	sld [smem:$0x3FA8]  }
0x30: {  	s3 =	sld [smem:$0x3FAB]  }
0x31: {  	[smem:$0x3FB4] =	sst s10  }
0x32: {  	s10 =	sld [smem:$0x3FB2];
	_ =	sdelay $0x3  }
0x33: {  	p0 =	seq.s32 s10, $0x1;
	s10 =	sld [smem:$0x3FB4];
	_ =	sdelay $0x3  }
0x34: {  	[smem:$0x3FB4] =	sst s10  }
0x35: {  	s10 =	sld [smem:$0x3FB3];
	_ =	sdelay $0x3  }
0x36: {  	p1 =	seq.s32 s10, $0x1;
	s10 =	sld [smem:$0x3FB4];
	_ =	sdelay $0x3  }
0x37: {  	[smem:$0x3FB4] =	sst s10  }
0x38: {  	s10 =	sld [smem:$0x3FB5]  }
0x39: {  	_ = 	snop;
	(pc) =	sbr.ind lr, $3  }
0x3a: {  	_ = 	snop  }
0x3b: {  	_ = 	snop  }
0x3c: {  	p2 =	seq.s32 s10, $0x1;
	s10 =	sld [smem:$0x3FB4]  }
0x3d: {  	_ =	shalt  }
0x3e: {  	_ =	shalt  }
0x3f: {  	_ =	shalt  }
0x40: {  	_ =	shalt  }
0x41: {  	_ =	shalt  }
0x42: {  	_ =	shalt  }
0x43: {  	_ =	shalt  }
0x44: {  	_ =	shalt  }
0x45: {  	_ =	shalt  }
0x46: {  	_ =	shalt  }
0x47: {  	_ =	shalt  }
0x48: {  	_ =	shalt  }
0x49: {  	_ =	shalt  }
0x4a: {  	_ =	shalt  }
0x4b: {  	_ =	shalt  }
0x4c: {  	_ =	shalt  }
0x4d: {  	_ =	shalt  }
0x4e: {  	_ =	shalt  }
0x4f: {  	_ =	shalt  }
0x50: {  	_ =	shalt  }
0x51: {  	_ =	shalt  }
0x52: {  	_ =	shalt  }
0x53: {  	_ =	shalt  }
0x54: {  	_ =	shalt  }
0x55: {  	_ =	shalt  }
0x56: {  	_ =	shalt  }
0x57: {  	_ =	shalt  }
0x58: {  	_ =	shalt  }
0x59: {  	_ =	shalt  }
0x5a: {  	_ =	shalt  }
0x5b: {  	_ =	shalt  }
0x5c: {  	_ =	shalt  }
0x5d: {  	_ =	shalt  }
0x5e: {  	_ =	shalt  }
0x5f: {  	_ =	shalt  }
0x60: {  	_ =	shalt  }
0x61: {  	_ =	shalt  }
0x62: {  	_ =	shalt  }
0x63: {  	_ =	shalt  }
0x64: {  	_ =	shalt  }
0x65: {  	_ =	shalt  }
0x66: {  	_ =	shalt  }
0x67: {  	_ =	shalt  }
0x68: {  	_ =	shalt  }
0x69: {  	_ =	shalt  }
0x6a: {  	_ =	shalt  }
0x6b: {  	_ =	shalt  }
0x6c: {  	_ =	shalt  }
0x6d: {  	_ =	shalt  }
0x6e: {  	_ =	shalt  }
0x6f: {  	_ =	shalt  }
0x70: {  	_ =	shalt  }
0x71: {  	_ =	shalt  }
0x72: {  	_ =	shalt  }
0x73: {  	_ =	shalt  }
0x74: {  	_ =	shalt  }
0x75: {  	_ =	shalt  }
0x76: {  	_ =	shalt  }
0x77: {  	_ =	shalt  }
0x78: {  	_ =	shalt  }
0x79: {  	_ =	shalt  }
0x7a: {  	_ =	shalt  }
0x7b: {  	_ =	shalt  }
0x7c: {  	_ =	shalt  }
0x7d: {  	_ =	shalt  }
0x7e: {  	_ =	shalt  }
0x7f: {  	_ =	shalt  }
0x80: {  	_ =	shalt  }
0x81: {  	_ =	shalt  }
0x82: {  	_ =	shalt  }
0x83: {  	_ =	shalt  }
0x84: {  	_ =	shalt  }
0x85: {  	_ =	shalt  }
0x86: {  	_ =	shalt  }
0x87: {  	_ =	shalt  }
.Lfunc_end0:
.L_simem_size_0:
called_computation.2_lowered:
.L_overlay_start_0:
0x88: {  	s2 =	sld [smem:$0x3FD9]  }
0x89: {  	s3 =	sld [smem:$0x3FFE];
	_ =	sdelay $0x1  }
0x8a: {  	s1 =	srdreg.scid  }
0x8b: {  	s0 =	sand.u32 $0x1, s1  }
0x8c: {  	s16 =	sshll.u32 s0, $0xA;
	s2 =	sadd.s32 s3, s2  }
0x8d: {  	s2 =	sadd.s32 s2, s16  }
0x8e: {  	[smem:$0x3FC0] =	sst s2  }
0x8f: {  	_ = 	snop  }
0x90: {  	(tm) =	ssettm $0x1  }
0x91: {  	s17 =	sld [smem:$0x3FFB];
	_ =	sdelay $0x3  }
0x92: {  	_ =	strace s17  }
0x93: {  	s2 =	sld [smem:$0x3FFC];
	_ =	sdelay $0x3  }
0x94: {  	_ =	strace s2  }
0x95: {  	s2 =	sld [smem:$0x3FFD];
	_ =	sdelay $0x3  }
0x96: {  	_ =	strace s2  }
0x97: {  	_ =	strace $0x8FFFFFFF  }
0x98: {  	s18 =	sld [smem:$0x3FDB];
	_ =	sdelay $0x1  }
0x99: {  	s19 =	simm.s32 $_scs_section_size  }
0x9a: {  	s4 =	simm.s32 $_size__tile_overlayer_lowered;
	s5 =	simm.s32 $_tile_overlayer_lowered  }
0x9b: {  	s22 =	simm.s32 $0x1BFF;
	s21 =	sshll.u32 s5, $0x1;
	s2 =	sadd.s32 s19, s18  }
0x9c: {  	s6 =	simm.s32 $0x0;
	s20 =	sshll.u32 s4, $0x1;
	s4 =	sadd.s32 s21, s2  }
0x9d: {  	[timem:s6], [sflag:s22] =	dma.local [hbm:s4], s20  }
0x9e: {  	_ =	swait.ge [sflag:s22], s20  }
0x9f: {  	s3 =	ssub.s32 $0x0, s20;
	[sflag:s22] =	ssyncset.done $0x0  }
0xa0: {  	[sflag:s22] =	ssyncadd.s32 s3;
	_ =	sdelay $0x1  }
0xa1: {  	s23 =	simm.s32 $0x1B8B  }
0xa2: {  	_ =	swait.ge [sflag:s23], $0x1  }
0xa3: {  	[sflag:s23] =	ssyncset.done $0x0  }
0xa4: {  	s25 =	simm.s32 $0x1B8E;
	s24 =	sld [smem:$0x3FFE];
	[sflag:s23] =	ssyncadd.s32 $0xFFFFFFFF  }
0xa5: {  	s26 =	simm.s32 $execute0_lowered;
	[smem:$0x3FD2] =	sst s25  }
0xa6: {  	s4 =	sshll.u32 s26, $0x1;
	_ =	strace $0x8000004C;
	[dreg:$0x1] =	wrdreg $0xFFFFFFFF  }
0xa7: {  	s28 =	simm.s32 $_size_execute0_lowered;
	s2 =	sadd.s32 s2, s4;
	[dreg:$0x0] =	wrdreg $0x0  }
0xa8: {  	s4 =	sshll.u32 s28, $0x1;
	[dreg:$0x2] =	wrdreg s2  }
0xa9: {  	[dreg:$0x3] =	wrdreg s4  }
0xaa: {  	[dreg:$0x4] =	wrdreg $0xC0  }
0xab: {  	_ =	task [dreg:s6], $0x5FFFF  }
0xac: {  	[dreg:$0x1] =	wrdreg $0xFFFFFFFF  }
0xad: {  	[dreg:$0x0] =	wrdreg $0x60  }
0xae: {  	[dreg:$0x2] =	wrdreg s24  }
0xaf: {  	[dreg:$0x3] =	wrdreg $0xCF000  }
0xb0: {  	[dreg:$0x4] =	wrdreg $0x11F000  }
0xb1: {  	[dreg:$0x5] =	wrdreg $0x9  }
0xb2: {  	_ =	task.clear_ibuf [dreg:s6], $0x6FFFF;
	_ =	strace $0x9000004C  }
0xb3: {  	s29 =	simm.s32 $0x9;
	_ =	strace $0x8000004E  }
0xb4: {  	_ =	swait.ge [sflag:s29], $0x1  }
0xb5: {  	[sflag:s29] =	ssyncadd.s32 $0xFFFFFFFF  }
0xb6: {  	_ =	strace $0x9000004E  }
0xb7: {  	_ =	sfence  }
0xb8: {  	s30 =	sld [smem:$0x0];
	_ =	sdelay $0x2  }
0xb9: {  	s31 =	sshll.u32 s1, $0xD;
	s1 =	sshrl.u32 s1, $0x2  }
0xba: {  	s3 =	sand.u32 $0x4000, s31;
	s1 =	sadd.s32 s1, s30  }
0xbb: {  	s0 =	sor.u32 s3, s0;
	s1 =	sshll.u32 s1, $0x11  }
0xbc: {  	s0 =	sor.u32 s1, s0  }
0xbd: {  	s0 =	sadd.s32 $0x8F2B, s0  }
0xbe: {  	[sflag:s0] =	ssyncadd.remote.s32 $0x1  }
0xbf: {  	_ =	sfence.sel $0xFFFF  }
0xc0: {  	[dreg:$0x0] =	wrdreg $0xFFFFFFFF;
	(pc) =	sbr.abs _section_cstart, $3  }
0xc1: {  	[dreg:$0x1] =	wrdreg $0xFFFFFFFF  }
0xc2: {  	_ =	task.clear_ibuf [dreg:s6], $0x2FFFF;
	_ =	strace $0x9FFFFFFF  }
0xc3: {  	(tm) =	ssettm $0x7FFFFFFF  }
tec
execute0_lowered:
.L_overlay_start_1:
0x0: {  	(tag) =	ssettag $0x1  }
0x1: {  	s0 =	srdreg.scid;
	s1 =	rddreg [dreg:$0x0]  }
0x2: {  	s2 =	rddreg [dreg:$0x1];
	s15 =	stileid.u32  }
0x3: {  	s3 =	rddreg [dreg:$0x2];
	s23 =	simm.s32 $0x0;
	s29 =	simm.s32 $0x3  }
0x4: {  	s31 =	simm.s32 $0x80;
	s30 =	simm.s32 $0x1;
	s6 =	smul.u32 $0x5000, s15  }
0x5: {  	s0 =	sand.u32 $0x1, s0;
	[smem:$0x7FF] =	sst s23;
	s12 =	smul.u32 $0x4F, s15  }
0x6: {  	s4 =	sshll.u32 s0, $0x4;
	s5 =	smul.u32 $0x50000, s0;
	_ =	strace $0x8000004D  }
0x7: {  	s10 =	ssub.s32 $0x2, s0;
	s4 =	sor.u32 s15, s4;
	s7 =	sshrl.u32 s6, $0x3  }
0x8: {  	s25 =	sshrl.u32 s10, $0x1;
	s4 =	smul.u32 $0x4F, s4;
	s5 =	sadd.s32 s6, s5  }
0x9: {  	s7 =	sadd.s32 s7, s1;
	s11 =	ssub.s32 s10, s25;
	s5 =	sshrl.u32 s5, $0x3  }
0xa: {  	s25 =	smax.u32 s11, $0x1;
	s11 =	smul.u32 $0x9E00, s15;
	s8 =	smin.u32 s4, $0x975  }
0xb: {  	s9 =	sshll.u32 s8, $0x4;
	s4 =	ssub.s32 s4, s8;
	s8 =	smul.u32 $0x4F0, s0  }
0xc: {  	s0 =	smul.u32 $0x9E000, s0;
	s9 =	sadd.s32 s9, s1;
	s1 =	sadd.s32 s5, s1  }
0xd: {  	s5 =	ssub.s32 $0x4F, s4;
	s13 =	sshll.u32 s4, $0x9;
	p0 =	sgt.s32 s4, $0x4E  }
0xe: {  	s24 =	sadd.s32 $0x2400, s9;
	s16 =	sadd.s32 $0xC040, s9;
	s26 =	sadd.s32 s12, s8  }
0xf: {  	s9 =	sadd.s32 $0x15E00, s7;
	s10 =	sshra.s32 s13, $0x2;
	s14 =	smin.u32 s26, $0x975  }
0x10: {  	s22 =	sadd.s32 $0x1FE00, s1;
	s0 =	sadd.s32 s11, s0;
	s7 =	ssub.s32 s14, s26  }
0x11: {  	s17 =	ssub.s32 s14, s12;
	s26 =	sadd.s32 $0x200, s13;
	s12 =	sadd.s32 $0x400, s13  }
0x12: {  	s14 =	sshll.u32 s14, $0x9;
	s13 =	sadd.s32 $0x600, s13;
	s1 =	sadd.s32 $0x4F, s7  }
0x13: {  	s17 =	ssub.s32 s17, s8;
	[dreg:$0x4] =	wrdreg s26;
	s7 =	sshra.s32 s26, $0x2  }
0x14: {  	s0 =	ssub.s32 s0, s14;
	[dreg:$0x5] =	wrdreg s12;
	s26 =	sshra.s32 s12, $0x2  }
0x15: {  	s11 =	sshra.s32 s13, $0x2;
	p1 =	slt.s32 @!p0 s1, $0x2;
	s14 =	sadd.s32 $0x200, s7  }
0x16: {  	s12 =	sadd.s32 $0x200, s26;
	s8 =	sadd.s32 $0x800, s0;
	s0 =	sadd.s32 $0x1000, s0  }
0x17: {  	s28 =	sadd.s32 $0x200, s11;
	s11 =	sadd.s32 $0x2780, s10;
	p1 =	por p0, p1  }
0x18: {  	s0 =	sshra.s32 s0, $0x2;
	p2 =	seq.s32 @!p1 s1, $0x2;
	p4 =	sgt.s32 @!p1 s4, $0x49  }
0x19: {  	[dreg:$0xb] =	wrdreg s11;
	p2 =	por p1, p2;
	s7 =	simm.s32 @!p4 $0x0  }
0x1a: {  	p3 =	seq.s32 @!p2 s1, $0x3;
	s7 =	simm.s32 @p4 $0x1;
	p4 =	sgt.s32 @!p2 s4, $0x48  }
0x1b: {  	[smem:$0x7F7] =	sst s7;
	s7 =	simm.s32 @!p4 $0x0;
	p3 =	por p2, p3  }
0x1c: {  	[dreg:$0x6] =	wrdreg s12;
	s7 =	simm.s32 @p4 $0x1;
	p4 =	sgt.s32 @!p3 s4, $0x47  }
0x1d: {  	p5 =	sgt.s32 @!p0 s4, $0x4A;
	[dreg:$0x8] =	wrdreg s0;
	s4 =	simm.s32 @!p4 $0x0  }
0x1e: {  	s19 =	sadd.s32 s6, s2;
	[smem:$0x7F8] =	sst s7;
	s4 =	simm.s32 @p4 $0x1  }
0x1f: {  	s6 =	sadd.s32 s6, s3;
	[smem:$0x7FA] =	sst s4;
	s4 =	sshra.s32 s8, $0x2  }
0x20: {  	s20 =	sadd.s32 $0x80, s10;
	s26 =	sadd.s32 $0x2780, s4;
	s4 =	sld [smem:$0x7F7]  }
0x21: {  	s18 =	sadd.s32 $0x100, s10;
	p6 =	por p5, p0;
	[dreg:$0x7] =	wrdreg s26  }
0x22: {  	s0 =	simm.s32 @!p6 $0x0;
	s26 =	sshrl.u32 s6, $0x3;
	s6 =	sld [smem:$0x7F8]  }
0x23: {  	[dreg:$0x9] =	wrdreg s14;
	s0 =	simm.s32 @p6 $0x1;
	p4 =	seq.s32 @!p3 s1, $0x4  }
0x24: {  	[smem:$0x7F6] =	sst s0;
	p4 =	por p3, p4;
	p6 =	seq.s32 s4, $0x1  }
0x25: {  	s7 =	sld [smem:$0x7FA];
	p6 =	por p6, p1;
	p5 =	seq.s32 s6, $0x1  }
0x26: {  	s8 =	sadd.s32 $0x200, s10;
	p5 =	por p5, p2;
	s4 =	simm.s32 @!p6 $0x0  }
0x27: {  	[dreg:$0xa] =	wrdreg s8;
	s0 =	simm.s32 @!p5 $0x0;
	s4 =	simm.s32 @p6 $0x1  }
.Ltmp0:
0x28: {  	s0 =	simm.s32 @p5 $0x1;
	p5 =	seq.s32 s7, $0x1;
	(pc) =	sbr.rel .LBB2_1-.Ltmp0, $4  }
0x29: {  	[smem:$0x7F9] =	sst s0;
	p5 =	por p5, p3;
	s0 =	simm.s32 @!p4 $0x0  }
0x2a: {  	[smem:$0x7FC] =	sst s4;
	s0 =	simm.s32 @p4 $0x1;
	s4 =	simm.s32 @!p5 $0x0  }
0x2b: {  	s21 =	sadd.s32 $0x180, s10;
	[smem:$0x7FB] =	sst s0;
	s4 =	simm.s32 @p5 $0x1  }
0x2c: {  	s1 =	simm.s32 $0x0;
	s0 =	simm.s32 $0x2;
	[smem:$0x7FD] =	sst s4  }
.LBB2_3:
0x2d: {  	s24 =	rddreg [dreg:$0x8]  }
0x2e: {  	s23 =	rddreg [dreg:$0x7]  }
.LBB2_8:
0x2f: {  	[spmem:s2] =	stream.indirect.scatter.add.f32 @p5 [tilespmem:s15], [sflag:$0x2], $0x20, s8, s31, $0xb8;
	[tilespmem:$0x16F00] =	vst v63  }
0x30: {  	p4 =	sge.s32 s11, s5  }
0x31: {  	_ =	swait.ge [sflag:s0], $0x1000;
	s8 =	sadd.s32 @!p4 $0x4000, s7  }
0x32: {  	[sflag:s0] =	ssyncset.done $0x0;
	s8 =	sand.u32 @!p4 $0x7000, s8  }
0x33: {  	s11 =	simm.s32 @!p4 $0x80;
	[sflag:s0] =	ssyncadd.s32 $0xFFFFF000;
	s8 =	sadd.s32 @!p4 $0x4F00, s8  }
0x34: {  	[tilespmem:s8], [sflag:$0x1] =	stream.indirect.gather @!p4 [spmem:s3], $0x20, s24, s11, $0xb8;
	[tilespmem:$0x16F00] =	vst v63  }
0x35: {  	s15 =	stileid.u32;
	s8 =	sand.u32 $0x7000, s7  }
0x36: {  	s24 =	smov.u32 s16;
	s16 =	smov.u32 s19;
	s19 =	smov.u32 s20  }
0x37: {  	s20 =	smov.u32 s18;
	s18 =	smov.u32 s10;
	s10 =	smov.u32 s21  }
0x38: {  	s21 =	smov.u32 s22;
	s22 =	smov.u32 s25;
	_ =	swait.ge [sflag:s30], $0x1000  }
0x39: {  	s25 =	smov.u32 s14;
	[sflag:s30] =	ssyncset.done $0x0;
	s11 =	sld [smem:$0x7FD]  }
0x3a: {  	s7 =	sadd.s32 $0x4F00, s8;
	s14 =	rddreg [dreg:$0x9];
	[sflag:s30] =	ssyncadd.s32 $0xFFFFF000  }
0x3b: {  	[spmem:s2] =	stream.indirect.scatter.add.f32 [tilespmem:s7], [sflag:$0x2], $0x20, s23, s31, $0xb8;
	[tilespmem:$0x16F00] =	vst v63  }
0x3c: {  	s12 =	rddreg [dreg:$0x6];
	s23 =	simm.s32 $0x0;
	p5 =	seq.s32 s11, $0x1  }
.LBB2_9:
0x3d: {  	_ =	swait.ge [sflag:s0], $0x1000  }
0x3e: {  	[sflag:s0] =	ssyncset.done $0x0  }
0x3f: {  	[sflag:s0] =	ssyncadd.s32 $0xFFFFF000  }
0x40: {  	_ =	swait.ge [sflag:s0], $0x1000  }
0x41: {  	[sflag:s0] =	ssyncset.done $0x0  }
0x42: {  	[sflag:s0] =	ssyncadd.s32 $0xFFFFF000  }
0x43: {  	_ =	swait.ge [sflag:s0], $0x1000  }
0x44: {  	[sflag:s0] =	ssyncset.done $0x0  }
0x45: {  	[sflag:s0] =	ssyncadd.s32 $0xFFFFF000  }
0x46: {  	_ =	swait.ge [sflag:s0], $0x1000  }
0x47: {  	s1 =	sadd.s32 $0x1, s1;
	[sflag:s0] =	ssyncset.done $0x0  }
0x48: {  	p4 =	sne.s32 s1, s25;
	[sflag:s0] =	ssyncadd.s32 $0xFFFFF000  }
.Ltmp1:
0x49: {  	[bflag:$0x0] =	sbarrier.arrive $0xFFFF;
	(pc) =	sbr.rel @!p4 .LBB2_10-.Ltmp1, $4  }
0x4a: {  	[hbm:s22], [sflag:s4] =	dma.local [spmem:s6], $0xA00  }
0x4b: {  	_ =	swait.ge [sflag:s29], $0xA00  }
0x4c: {  	[sflag:s29] =	ssyncset.done $0x0  }
0x4d: {  	[sflag:s29] =	ssyncadd.s32 $0xFFFFF600  }
.LBB2_1:
0x4e: {  	[tilespmem:s23], [sflag:$0x3] =	stream.linear.gather [hbm4b:s24+s23], $0x2780, $0x38;
	[tilespmem:$0x16F00] =	vst v63  }
0x4f: {  	_ =	swait.ge [sflag:s29], $0x2780  }
0x50: {  	[sflag:s29] =	ssyncset.done $0x0  }
0x51: {  	s4 =	simm.s32 $0x2780;
	[sflag:s29] =	ssyncadd.s32 $0xFFFFD880  }
0x52: {  	[tilespmem:s4], [sflag:$0x3] =	stream.linear.gather [hbm4b:s16+s23], $0x2780, $0x38;
	[tilespmem:$0x16F00] =	vst v63  }
0x53: {  	_ =	swait.ge [sflag:s29], $0x2780  }
0x54: {  	s7 =	sshll.u32 s15, $0x6;
	[sflag:s29] =	ssyncset.done $0x0  }
0x55: {  	s6 =	sshrl.u32 s19, $0x3;
	s4 =	sor.u32 $0x1C03, s7;
	[sflag:s29] =	ssyncadd.s32 $0xFFFFD880  }
0x56: {  	[spmem:s6], [sflag:s4] =	dma.local [hbm:s9], $0xA00  }
0x57: {  	_ =	swait.ge [sflag:s29], $0xA00  }
0x58: {  	[sflag:s29] =	ssyncset.done $0x0  }
0x59: {  	[sflag:s29] =	ssyncadd.s32 $0xFFFFF600  }
0x5a: {  	[spmem:s26], [sflag:s4] =	dma.local [hbm:s9], $0xA00  }
0x5b: {  	_ =	swait.ge [sflag:s29], $0xA00  }
0x5c: {  	[sflag:s29] =	ssyncset.done $0x0  }
0x5d: {  	[sflag:s29] =	ssyncadd.s32 $0xFFFFF600  }
0x5e: {  	s7 =	simm.s32 $0x4F00;
	[bflag:$0x0] =	sbarrier.arrive $0xFFFF  }
0x5f: {  	[tilespmem:s7], [sflag:$0x1] =	stream.indirect.gather [spmem:s3], $0x20, s10, s31, $0xb8;
	[tilespmem:$0x16F00] =	vst v63  }
0x60: {  	s8 =	simm.s32 $0x5F00  }
0x61: {  	[tilespmem:s8], [sflag:$0x1] =	stream.indirect.gather [spmem:s3], $0x20, s20, s31, $0xb8;
	[tilespmem:$0x16F00] =	vst v63  }
0x62: {  	s11 =	simm.s32 $0x6F00  }
0x63: {  	[tilespmem:s11], [sflag:$0x1] =	stream.indirect.gather [spmem:s3], $0x20, s18, s31, $0xb8;
	[tilespmem:$0x16F00] =	vst v63  }
0x64: {  	s11 =	sld [smem:$0x7F6]  }
0x65: {  	s8 =	simm.s32 $0x7F00  }
0x66: {  	[tilespmem:s8], [sflag:$0x1] =	stream.indirect.gather [spmem:s3], $0x20, s21, s31, $0xb8;
	[tilespmem:$0x16F00] =	vst v63  }
0x67: {  	p4 =	seq.s32 s11, $0x1  }
0x68: {  	s11 =	rddreg [dreg:$0xa];
	s7 =	simm.s32 @!p4 $0x80;
	s8 =	simm.s32 @!p4 $0x8F00  }
0x69: {  	[tilespmem:s8], [sflag:$0x1] =	stream.indirect.gather @!p4 [spmem:s3], $0x20, s11, s7, $0xb8;
	[tilespmem:$0x16F00] =	vst v63  }
0x6a: {  	s7 =	simm.s32 @!p0 $0x1  }
0x6b: {  	_ =	swait.ge @!p0 [sflag:s7], $0x1000  }
0x6c: {  	s8 =	simm.s32 @!p0 $0x4F00;
	[sflag:s7] =	ssyncset.done @!p0 $0x0  }
0x6d: {  	s11 =	rddreg [dreg:$0xb];
	[sflag:s7] =	ssyncadd.s32 @!p0 $0xFFFFF000;
	s7 =	simm.s32 @!p0 $0x80  }
0x6e: {  	[spmem:s2] =	stream.indirect.scatter.add.f32 @!p0 [tilespmem:s8], [sflag:$0x2], $0x20, s11, s7, $0xb8;
	[tilespmem:$0x16F00] =	vst v63  }
0x6f: {  	s7 =	simm.s32 @!p6 $0x80;
	s8 =	simm.s32 @!p6 $0x9F00  }
0x70: {  	[tilespmem:s8], [sflag:$0x1] =	stream.indirect.gather @!p6 [spmem:s3], $0x20, s14, s7, $0xb8;
	[tilespmem:$0x16F00] =	vst v63  }
0x71: {  	s7 =	simm.s32 @!p1 $0x1  }
0x72: {  	_ =	swait.ge @!p1 [sflag:s7], $0x1000  }
0x73: {  	[sflag:s7] =	ssyncset.done @!p1 $0x0  }
0x74: {  	[sflag:s7] =	ssyncadd.s32 @!p1 $0xFFFFF000;
	s7 =	rddreg [dreg:$0x4]  }
0x75: {  	s7 =	sshra.s32 @!p1 s7, $0x2  }
0x76: {  	s11 =	simm.s32 @!p1 $0x5F00;
	s8 =	simm.s32 @!p1 $0x80;
	s7 =	sadd.s32 @!p1 $0x2780, s7  }
0x77: {  	[spmem:s2] =	stream.indirect.scatter.add.f32 @!p1 [tilespmem:s11], [sflag:$0x2], $0x20, s7, s8, $0xb8;
	[tilespmem:$0x16F00] =	vst v63  }
0x78: {  	s8 =	sld [smem:$0x7F9];
	_ =	sdelay $0x2  }
0x79: {  	p4 =	seq.s32 s8, $0x1  }
0x7a: {  	s7 =	simm.s32 @!p4 $0x80;
	s8 =	simm.s32 @!p4 $0xAF00  }
0x7b: {  	[tilespmem:s8], [sflag:$0x1] =	stream.indirect.gather @!p4 [spmem:s3], $0x20, s12, s7, $0xb8;
	[tilespmem:$0x16F00] =	vst v63  }
0x7c: {  	s7 =	simm.s32 @!p2 $0x1  }
0x7d: {  	_ =	swait.ge @!p2 [sflag:s7], $0x1000  }
0x7e: {  	[sflag:s7] =	ssyncset.done @!p2 $0x0  }
0x7f: {  	[sflag:s7] =	ssyncadd.s32 @!p2 $0xFFFFF000;
	s7 =	rddreg [dreg:$0x5]  }
0x80: {  	s7 =	sshra.s32 @!p2 s7, $0x2  }
0x81: {  	s11 =	simm.s32 @!p2 $0x6F00;
	s8 =	simm.s32 @!p2 $0x80;
	s7 =	sadd.s32 @!p2 $0x2780, s7  }
0x82: {  	[spmem:s2] =	stream.indirect.scatter.add.f32 @!p2 [tilespmem:s11], [sflag:$0x2], $0x20, s7, s8, $0xb8;
	[tilespmem:$0x16F00] =	vst v63  }
0x83: {  	s7 =	simm.s32 @!p5 $0x80;
	s8 =	simm.s32 @!p5 $0xBF00  }
0x84: {  	[tilespmem:s8], [sflag:$0x1] =	stream.indirect.gather @!p5 [spmem:s3], $0x20, s28, s7, $0xb8;
	[tilespmem:$0x16F00] =	vst v63  }
0x85: {  	s7 =	simm.s32 @!p3 $0x1  }
0x86: {  	_ =	swait.ge @!p3 [sflag:s7], $0x1000  }
0x87: {  	[sflag:s7] =	ssyncset.done @!p3 $0x0  }
0x88: {  	[sflag:s7] =	ssyncadd.s32 @!p3 $0xFFFFF000;
	s7 =	sshra.s32 @!p3 s13, $0x2  }
0x89: {  	s11 =	simm.s32 @!p3 $0x7F00;
	s8 =	simm.s32 @!p3 $0x80;
	s7 =	sadd.s32 @!p3 $0x2780, s7  }
0x8a: {  	[spmem:s2] =	stream.indirect.scatter.add.f32 @!p3 [tilespmem:s11], [sflag:$0x2], $0x20, s7, s8, $0xb8;
	[tilespmem:$0x16F00] =	vst v63  }
0x8b: {  	s11 =	sld [smem:$0x7FB];
	_ =	sdelay $0x2  }
0x8c: {  	p4 =	seq.s32 s11, $0x1  }
.Ltmp2:
0x8d: {  	_ = 	snop;
	(pc) =	sbr.rel @p4 .LBB2_9-.Ltmp2, $1  }
0x8e: {  	_ =	sdelay $0x3  }
0x8f: {  	p4 =	sne.s32 s17, $0xFFFFFFB6  }
.Ltmp3:
0x90: {  	_ = 	snop;
	(pc) =	sbr.rel @!p4 .LBB2_3-.Ltmp3, $4  }
0x91: {  	s14 =	smov.u32 s25;
	s25 =	smov.u32 s22;
	s22 =	smov.u32 s21  }
0x92: {  	s21 =	smov.u32 s10;
	s10 =	smov.u32 s18;
	s18 =	smov.u32 s20  }
0x93: {  	s20 =	smov.u32 s19;
	s19 =	smov.u32 s16;
	s16 =	smov.u32 s24  }
0x94: {  	s7 =	simm.s32 @!p3 $0x4000;
	s11 =	simm.s32 $0x8;
	p5 =	por $0x0, $0x0  }
0x95: {  	p4 =	sle.s32 s5, $0x8  }
0x96: {  	_ =	swait.ge [sflag:s0], $0x1000;
	s8 =	simm.s32 @!p4 $0x8000  }
0x97: {  	[sflag:s0] =	ssyncset.done $0x0;
	s11 =	simm.s32 @!p4 $0x80;
	s8 =	sand.u32 @!p4 $0x7000, s8  }
0x98: {  	s15 =	rddreg [dreg:$0x8];
	[sflag:s0] =	ssyncadd.s32 $0xFFFFF000;
	s8 =	sadd.s32 @!p4 $0x4F00, s8  }
0x99: {  	[tilespmem:s8], [sflag:$0x1] =	stream.indirect.gather @!p4 [spmem:s3], $0x20, s15, s11, $0xb8;
	[tilespmem:$0x16F00] =	vst v63  }
0x9a: {  	s12 =	smov.u32 s26;
	s26 =	smov.u32 s9;
	p4 =	sne.s32 s17, $0xFFFFFFB7  }
.Ltmp4:
0x9b: {  	s9 =	smov.u32 s28;
	s28 =	smov.u32 s13;
	(pc) =	sbr.rel @!p4 .LBB2_5-.Ltmp4, $4  }
0x9c: {  	s13 =	simm.s32 $0xFFFFFFB7;
	s7 =	sand.u32 $0x7000, s7;
	p5 =	por $0x1, $0x1  }
0x9d: {  	s24 =	sadd.s32 $0x80, s15;
	s11 =	simm.s32 $0x9;
	_ =	swait.ge [sflag:s30], $0x1000  }
0x9e: {  	s15 =	sadd.s32 $0x4F00, s7;
	[sflag:s30] =	ssyncset.done $0x0;
	s8 =	rddreg [dreg:$0x7]  }
0x9f: {  	s7 =	simm.s32 $0x5000;
	s23 =	sadd.s32 $0x80, s8;
	[sflag:s30] =	ssyncadd.s32 $0xFFFFF000  }
.LBB2_6:
0xa0: {  	[spmem:s2] =	stream.indirect.scatter.add.f32 [tilespmem:s15], [sflag:$0x2], $0x20, s8, s31, $0xb8;
	[tilespmem:$0x16F00] =	vst v63  }
0xa1: {  	p4 =	sge.s32 s11, s5;
	s11 =	sadd.s32 $0x53, s13;
	s13 =	sadd.s32 $0x1, s13  }
0xa2: {  	p6 =	sne.s32 s17, s13;
	s8 =	sadd.s32 @!p4 $0x4000, s7;
	_ =	swait.ge [sflag:s0], $0x1000  }
0xa3: {  	s15 =	simm.s32 @!p4 $0x80;
	s8 =	sand.u32 @!p4 $0x7000, s8;
	[sflag:s0] =	ssyncset.done $0x0  }
.Ltmp5:
0xa4: {  	s8 =	sadd.s32 @!p4 $0x4F00, s8;
	[sflag:s0] =	ssyncadd.s32 $0xFFFFF000;
	(pc) =	sbr.rel @p6 .LBB2_6-.Ltmp5, $4  }
0xa5: {  	[tilespmem:s8], [sflag:$0x1] =	stream.indirect.gather @!p4 [spmem:s3], $0x20, s24, s15, $0xb8;
	[tilespmem:$0x16F00] =	vst v63  }
0xa6: {  	s24 =	sadd.s32 $0x80, s24;
	s8 =	smov.u32 s23;
	_ =	swait.ge [sflag:s30], $0x1000  }
0xa7: {  	s15 =	sand.u32 $0x7000, s7;
	s23 =	sadd.s32 $0x80, s23;
	[sflag:s30] =	ssyncset.done $0x0  }
0xa8: {  	s7 =	sadd.s32 $0x1000, s7;
	s15 =	sadd.s32 $0x4F00, s15;
	[sflag:s30] =	ssyncadd.s32 $0xFFFFF000  }
.Ltmp6:
0xa9: {  	s13 =	smov.u32 s28;
	s28 =	smov.u32 s9;
	(pc) =	sbr.rel .LBB2_8-.Ltmp6, $3  }
0xaa: {  	s9 =	smov.u32 s26;
	s26 =	smov.u32 s12;
	s12 =	sld [smem:$0x7FC]  }
0xab: {  	_ =	sdelay $0x1  }
0xac: {  	p6 =	seq.s32 s12, $0x1  }
.LBB2_5:
.Ltmp7:
0xad: {  	s13 =	smov.u32 s28;
	s28 =	smov.u32 s9;
	(pc) =	sbr.rel .LBB2_8-.Ltmp7, $3  }
0xae: {  	s9 =	smov.u32 s26;
	s26 =	smov.u32 s12;
	s12 =	sld [smem:$0x7FC]  }
0xaf: {  	_ =	sdelay $0x1  }
0xb0: {  	s8 =	rddreg [dreg:$0x7];
	p6 =	seq.s32 s12, $0x1  }
.LBB2_10:
0xb1: {  	_ =	sfence.sel $0x180000  }
0xb2: {  	[bflag:$0x0] =	sbarrier.arrive $0xFFFF  }
0xb3: {  	_ =	strace $0x9000004D  }
0xb4: {  	[bflag:$0x2] =	sbarrier.arrive $0xFFFF  }
0xb5: {  	p0 =	sne.s32 s15, $0x0;
	s0 =	rddreg [dreg:$0x3]  }
0xb6: {  	s0 =	sadd.s32 @!p0 $0x100000, s0  }
0xb7: {  	[sflag:s0] =	ssyncadd.tile.s32 @!p0 $0x1;
	_ =	shalt  }
.Lfunc_end2:
_tile_overlayer_lowered:
.L_overlay_start_2:
0xb8: {  	(tag) =	ssettag $0x2  }
0xb9: {  	s0 =	rddreg [dreg:$0x0];
	s2 =	stileid.u32  }
0xba: {  	s1 =	rddreg [dreg:$0x1];
	p0 =	sne.s32 s2, $0x0  }
0xbb: {  	s3 =	rddreg [dreg:$0x2];
	[bflag:$0x3] =	sbarrier.arrive $0xFFFF;
	s2 =	simm.s32 @!p0 $0x1C03  }
0xbc: {  	[timem:s3], [sflag:s2] =	dma.local @!p0 [hbm:s0], s1  }
0xbd: {  	s0 =	simm.s32 @!p0 $0x3  }
0xbe: {  	_ =	swait.ge @!p0 [sflag:s0], s1  }
0xbf: {  	s1 =	ssub.s32 @!p0 $0x0, s1;
	[sflag:s0] =	ssyncset.done @!p0 $0x0  }
0xc0: {  	[sflag:s0] =	ssyncadd.s32 @!p0 s1  }
0xc1: {  	[bflag:$0x3] =	sbarrier.arrive $0xFFFF  }
0xc2: {  	_ =	shalt  }

// kernel: kernel.8.cloned.1.call-start
scs
__scs_entry_jumppad:
0x0: {  	(pc) =	sbr.rel $0x88, $3  }
0x1: {  	(tag) =	ssettag $0x0;
	lr =	simm.s32 $0x1  }
0x2: {  	[smem:$0x3F99] =	sst lr;
	_ =	strace $0xD0000000  }
0x3: {  	_ = 	snop  }
0x4: {  	_ = 	snop  }
0x5: {  	_ = 	snop  }
0x6: {  	_ = 	snop  }
0x7: {  	_ = 	snop  }
__scs_overlays_trampoline_lowered:
0x8: {  	[smem:$0x3FA8] =	sst s0  }
0x9: {  	[smem:$0x3FA9] =	sst s1  }
0xa: {  	[smem:$0x3FAA] =	sst s2  }
0xb: {  	[smem:$0x3FAB] =	sst s3  }
0xc: {  	[smem:$0x3FAC] =	sst s4  }
0xd: {  	[smem:$0x3FAD] =	sst s5  }
0xe: {  	[smem:$0x3FAE] =	sst s6  }
0xf: {  	[smem:$0x3FAF] =	sst s7  }
0x10: {  	[smem:$0x3FB0] =	sst s8  }
0x11: {  	[smem:$0x3FB1] =	sst s9;
	s0 =	simm.s32 @!p0 $0x0  }
0x12: {  	s1 =	sld [smem:$0x3F97];
	s0 =	simm.s32 @p0 $0x1  }
0x13: {  	[smem:$0x3FB2] =	sst s0;
	s0 =	simm.s32 @!p1 $0x0  }
0x14: {  	s2 =	sld [smem:$0x3F96];
	s0 =	simm.s32 @p1 $0x1  }
0x15: {  	[smem:$0x3FB3] =	sst s0;
	s0 =	simm.s32 @!p2 $0x0  }
0x16: {  	s3 =	sld [smem:$0x3FDB];
	s0 =	simm.s32 @p2 $0x1  }
0x17: {  	s4 =	simm.s32 $0x1BF5;
	[smem:$0x3FB5] =	sst s0  }
0x18: {  	s0 =	sld [smem:$0x3F98];
	_ =	swait.ge [sflag:s4], $0x0  }
0x19: {  	s7 =	sld [smem:$0x3F99]  }
0x1a: {  	s8 =	sadd.s32 $0xFFFFE003, lr  }
0x1b: {  	s9 =	sadd.s32 $0xFFFFFEF7, lr;
	s5 =	simm.s32 $0xFFFFFFFF;
	p2 =	slt.u32 s8, $0xFFFFF086  }
0x1c: {  	p1 =	slt.u32 s9, $0xF7A;
	s5 =	simm.s32 @!p2 $0x0  }
0x1d: {  	s5 =	simm.s32 @p1 $0x1;
	p0 =	seq.s32 s7, s2  }
0x1e: {  	s7 =	smul.u32 @!p0 $0xF7A, s2;
	p2 =	seq.s32 @!p0 s5, $0x0  }
0x1f: {  	s9 =	smul.u32 $0xF7A, s1;
	s8 =	simm.s32 @!p0 $0x1BF5;
	p2 =	por !p2, p0  }
0x20: {  	[sflag:s8] =	ssyncset.s32 @!p0 $0xFFFFF086;
	s6 =	sadd.s32 @!p0 s3, s7;
	s7 =	simm.s32 @!p0 $0x108  }
0x21: {  	s3 =	sadd.s32 s3, s9;
	s6 =	sadd.s32 @!p0 $0x88, s6;
	s7 =	simm.s32 @p2 $0x1082  }
0x22: {  	[simem:s7], [sflag:s8] =	dma.local @!p0 [hbm:s6], $0xF7A  }
0x23: {  	s9 =	sor.u32 $0xD0000000, s2;
	s6 =	simm.s32 $0x108;
	_ =	swait.ge @!p0 [sflag:s8], $0x0  }
0x24: {  	s3 =	sadd.s32 $0x88, s3;
	s6 =	simm.s32 @!p1 $0x1082;
	[sflag:s4] =	ssyncset.s32 $0xFFFFF086  }
0x25: {  	[simem:s6], [sflag:s4] =	dma.local [hbm:s3], $0xF7A  }
0x26: {  	[smem:$0x3F99] =	sst s1;
	(tag) =	ssettag s2;
	_ =	strace s9  }
0x27: {  	s1 =	sld [smem:$0x3FA9]  }
0x28: {  	s2 =	sld [smem:$0x3FAA]  }
0x29: {  	s4 =	sld [smem:$0x3FAC]  }
0x2a: {  	p0 =	seq.s32 s5, $0x0;
	s5 =	sld [smem:$0x3FAD]  }
0x2b: {  	s6 =	sld [smem:$0x3FAE]  }
0x2c: {  	s7 =	sld [smem:$0x3FAF]  }
0x2d: {  	s3 =	simm.s32 $0x108;
	s8 =	sld [smem:$0x3FB0]  }
0x2e: {  	s3 =	simm.s32 @!p0 $0x1082;
	s9 =	sld [smem:$0x3FB1]  }
0x2f: {  	lr =	sadd.s32 s0, s3;
	s0 =	sld [smem:$0x3FA8]  }
0x30: {  	s3 =	sld [smem:$0x3FAB]  }
0x31: {  	[smem:$0x3FB4] =	sst s10  }
0x32: {  	s10 =	sld [smem:$0x3FB2];
	_ =	sdelay $0x3  }
0x33: {  	p0 =	seq.s32 s10, $0x1;
	s10 =	sld [smem:$0x3FB4];
	_ =	sdelay $0x3  }
0x34: {  	[smem:$0x3FB4] =	sst s10  }
0x35: {  	s10 =	sld [smem:$0x3FB3];
	_ =	sdelay $0x3  }
0x36: {  	p1 =	seq.s32 s10, $0x1;
	s10 =	sld [smem:$0x3FB4];
	_ =	sdelay $0x3  }
0x37: {  	[smem:$0x3FB4] =	sst s10  }
0x38: {  	s10 =	sld [smem:$0x3FB5]  }
0x39: {  	_ = 	snop;
	(pc) =	sbr.ind lr, $3  }
0x3a: {  	_ = 	snop  }
0x3b: {  	_ = 	snop  }
0x3c: {  	p2 =	seq.s32 s10, $0x1;
	s10 =	sld [smem:$0x3FB4]  }
0x3d: {  	_ =	shalt  }
0x3e: {  	_ =	shalt  }
0x3f: {  	_ =	shalt  }
0x40: {  	_ =	shalt  }
0x41: {  	_ =	shalt  }
0x42: {  	_ =	shalt  }
0x43: {  	_ =	shalt  }
0x44: {  	_ =	shalt  }
0x45: {  	_ =	shalt  }
0x46: {  	_ =	shalt  }
0x47: {  	_ =	shalt  }
0x48: {  	_ =	shalt  }
0x49: {  	_ =	shalt  }
0x4a: {  	_ =	shalt  }
0x4b: {  	_ =	shalt  }
0x4c: {  	_ =	shalt  }
0x4d: {  	_ =	shalt  }
0x4e: {  	_ =	shalt  }
0x4f: {  	_ =	shalt  }
0x50: {  	_ =	shalt  }
0x51: {  	_ =	shalt  }
0x52: {  	_ =	shalt  }
0x53: {  	_ =	shalt  }
0x54: {  	_ =	shalt  }
0x55: {  	_ =	shalt  }
0x56: {  	_ =	shalt  }
0x57: {  	_ =	shalt  }
0x58: {  	_ =	shalt  }
0x59: {  	_ =	shalt  }
0x5a: {  	_ =	shalt  }
0x5b: {  	_ =	shalt  }
0x5c: {  	_ =	shalt  }
0x5d: {  	_ =	shalt  }
0x5e: {  	_ =	shalt  }
0x5f: {  	_ =	shalt  }
0x60: {  	_ =	shalt  }
0x61: {  	_ =	shalt  }
0x62: {  	_ =	shalt  }
0x63: {  	_ =	shalt  }
0x64: {  	_ =	shalt  }
0x65: {  	_ =	shalt  }
0x66: {  	_ =	shalt  }
0x67: {  	_ =	shalt  }
0x68: {  	_ =	shalt  }
0x69: {  	_ =	shalt  }
0x6a: {  	_ =	shalt  }
0x6b: {  	_ =	shalt  }
0x6c: {  	_ =	shalt  }
0x6d: {  	_ =	shalt  }
0x6e: {  	_ =	shalt  }
0x6f: {  	_ =	shalt  }
0x70: {  	_ =	shalt  }
0x71: {  	_ =	shalt  }
0x72: {  	_ =	shalt  }
0x73: {  	_ =	shalt  }
0x74: {  	_ =	shalt  }
0x75: {  	_ =	shalt  }
0x76: {  	_ =	shalt  }
0x77: {  	_ =	shalt  }
0x78: {  	_ =	shalt  }
0x79: {  	_ =	shalt  }
0x7a: {  	_ =	shalt  }
0x7b: {  	_ =	shalt  }
0x7c: {  	_ =	shalt  }
0x7d: {  	_ =	shalt  }
0x7e: {  	_ =	shalt  }
0x7f: {  	_ =	shalt  }
0x80: {  	_ =	shalt  }
0x81: {  	_ =	shalt  }
0x82: {  	_ =	shalt  }
0x83: {  	_ =	shalt  }
0x84: {  	_ =	shalt  }
0x85: {  	_ =	shalt  }
0x86: {  	_ =	shalt  }
0x87: {  	_ =	shalt  }
.Lfunc_end0:
.L_simem_size_0:
called_computation_lowered:
.L_overlay_start_0:
0x88: {  	s2 =	sld [smem:$0x3FD9]  }
0x89: {  	s3 =	sld [smem:$0x3FFE];
	_ =	sdelay $0x1  }
0x8a: {  	s1 =	srdreg.scid  }
0x8b: {  	s0 =	sand.u32 $0x1, s1  }
0x8c: {  	s14 =	sshll.u32 s0, $0xA;
	s2 =	sadd.s32 s3, s2  }
0x8d: {  	s2 =	sadd.s32 s2, s14  }
0x8e: {  	[smem:$0x3FC0] =	sst s2  }
0x8f: {  	_ = 	snop  }
0x90: {  	s2 =	sld [smem:$0x3FD0];
	_ =	sdelay $0x2  }
0x91: {  	s15 =	simm.s32 $0xA;
	s4 =	simm.s32 $0x10  }
0x92: {  	[smem:s4], [sflag:s15] =	dma.local [hbm:s2], $0x1  }
0x93: {  	_ =	swait.eq [sflag:s15], $0x1  }
0x94: {  	[sflag:s15] =	ssyncset.done $0x0  }
0x95: {  	s16 =	sld [smem:$0x10];
	[sflag:s15] =	ssyncadd.s32 $0xFFFFFFFF  }
0x96: {  	s17 =	sld [smem:$0x11];
	(tm) =	ssettm $0x1  }
0x97: {  	s18 =	sld [smem:$0x3FFB];
	_ =	sdelay $0x3  }
0x98: {  	_ =	strace s18  }
0x99: {  	s4 =	sld [smem:$0x3FFC];
	_ =	sdelay $0x3  }
0x9a: {  	_ =	strace s4  }
0x9b: {  	s4 =	sld [smem:$0x3FFD];
	_ =	sdelay $0x3  }
0x9c: {  	_ =	strace s4  }
0x9d: {  	_ =	strace $0x8FFFFFFF  }
0x9e: {  	s19 =	sld [smem:$0x3FDB];
	_ =	sdelay $0x1  }
0x9f: {  	s5 =	simm.s32 $_scs_section_size  }
0xa0: {  	s6 =	simm.s32 $_size__tile_overlayer_lowered;
	s7 =	simm.s32 $_tile_overlayer_lowered  }
0xa1: {  	s22 =	simm.s32 $0x1BFF;
	s21 =	sshll.u32 s7, $0x1;
	s4 =	sadd.s32 s5, s19  }
0xa2: {  	s8 =	simm.s32 $0x0;
	s20 =	sshll.u32 s6, $0x1;
	s6 =	sadd.s32 s21, s4  }
0xa3: {  	[timem:s8], [sflag:s22] =	dma.local [hbm:s6], s20  }
0xa4: {  	_ =	swait.ge [sflag:s22], s20  }
0xa5: {  	s5 =	ssub.s32 $0x0, s20;
	[sflag:s22] =	ssyncset.done $0x0  }
0xa6: {  	[sflag:s22] =	ssyncadd.s32 s5;
	_ =	sdelay $0x1  }
0xa7: {  	s23 =	simm.s32 $0x1B8B  }
0xa8: {  	_ =	swait.ge [sflag:s23], $0x1  }
0xa9: {  	[sflag:s23] =	ssyncset.done $0x0  }
0xaa: {  	s25 =	simm.s32 $0x1B8E;
	s24 =	sld [smem:$0x3FFE];
	[sflag:s23] =	ssyncadd.s32 $0xFFFFFFFF  }
0xab: {  	s26 =	simm.s32 $execute0_lowered;
	[smem:$0x3FD2] =	sst s25  }
0xac: {  	s6 =	sshll.u32 s26, $0x1;
	_ =	strace $0x80000046;
	[dreg:$0x1] =	wrdreg $0xFFFFFFFF  }
0xad: {  	s28 =	simm.s32 $_size_execute0_lowered;
	s4 =	sadd.s32 s4, s6;
	[dreg:$0x0] =	wrdreg $0x0  }
0xae: {  	s6 =	sshll.u32 s28, $0x1;
	[dreg:$0x2] =	wrdreg s4  }
0xaf: {  	[dreg:$0x3] =	wrdreg s6  }
0xb0: {  	[dreg:$0x4] =	wrdreg $0xC0  }
0xb1: {  	_ =	task [dreg:s8], $0x5FFFF  }
0xb2: {  	[dreg:$0x1] =	wrdreg $0xFFFFFFFF  }
0xb3: {  	[dreg:$0x0] =	wrdreg $0x60  }
0xb4: {  	[dreg:$0x2] =	wrdreg s16  }
0xb5: {  	[dreg:$0x3] =	wrdreg s24  }
0xb6: {  	[dreg:$0x4] =	wrdreg s17  }
0xb7: {  	[dreg:$0x5] =	wrdreg $0x28000  }
0xb8: {  	[dreg:$0x6] =	wrdreg $0x9  }
0xb9: {  	_ =	task.clear_ibuf [dreg:s8], $0x7FFFF;
	_ =	strace $0x90000046  }
0xba: {  	s29 =	simm.s32 $0x9;
	_ =	strace $0x80000048  }
0xbb: {  	_ =	swait.ge [sflag:s29], $0x1  }
0xbc: {  	[sflag:s29] =	ssyncadd.s32 $0xFFFFFFFF  }
0xbd: {  	_ =	strace $0x90000048  }
0xbe: {  	_ =	sfence  }
0xbf: {  	s30 =	sld [smem:$0x0];
	_ =	sdelay $0x2  }
0xc0: {  	s31 =	sshll.u32 s1, $0xD;
	s1 =	sshrl.u32 s1, $0x2  }
0xc1: {  	s3 =	sand.u32 $0x4000, s31;
	s1 =	sadd.s32 s1, s30  }
0xc2: {  	s0 =	sor.u32 s3, s0;
	s1 =	sshll.u32 s1, $0x11  }
0xc3: {  	s0 =	sor.u32 s1, s0  }
0xc4: {  	s0 =	sadd.s32 $0x8F2B, s0  }
0xc5: {  	[sflag:s0] =	ssyncadd.remote.s32 $0x1  }
0xc6: {  	_ =	sfence.sel $0xFFFF  }
0xc7: {  	[dreg:$0x0] =	wrdreg $0xFFFFFFFF;
	(pc) =	sbr.abs _section_cstart, $3  }
0xc8: {  	[dreg:$0x1] =	wrdreg $0xFFFFFFFF  }
0xc9: {  	_ =	task.clear_ibuf [dreg:s8], $0x2FFFF;
	_ =	strace $0x9FFFFFFF  }
0xca: {  	(tm) =	ssettm $0x7FFFFFFF  }
0xcb: {  	_ =	shalt  }
tec
execute0_lowered:
.L_overlay_start_1:
0x0: {  	(tag) =	ssettag $0x1  }
0x1: {  	s5 =	rddreg [dreg:$0x0]  }
0x2: {  	s0 =	srdreg.scid;
	s4 =	rddreg [dreg:$0x1]  }
0x3: {  	s7 =	rddreg [dreg:$0x2];
	s6 =	sand.u32 $0x1, s0;
	s0 =	stileid.u32  }
0x4: {  	s2 =	rddreg [dreg:$0x3];
	s3 =	simm.s32 $0x0;
	s9 =	smul.u32 $0x280, s0  }
0x5: {  	s15 =	simm.s32 $0x0;
	[smem:$0x7FF] =	sst s3;
	s11 =	smul.u32 $0x2800, s6  }
0x6: {  	s1 =	sshll.u32 s6, $0x4;
	s13 =	ssub.s32 $0x2, s6;
	s6 =	smul.u32 $0x4F0, s6  }
0x7: {  	s14 =	smul.u32 $0x4F, s0;
	s31 =	sshll.u32 s0, $0x6;
	s8 =	sor.u32 s0, s1  }
0x8: {  	s1 =	rddreg [dreg:$0x4];
	_ =	strace $0x80000047;
	s24 =	sshrl.u32 s13, $0x1  }
0x9: {  	s8 =	smul.u32 $0x4F, s8;
	s25 =	sadd.s32 s9, s2;
	s26 =	sadd.s32 s9, s11  }
0xa: {  	s28 =	sadd.s32 s14, s6;
	s29 =	sshrl.u32 s9, $0x3;
	s11 =	sor.u32 $0x1C01, s31  }
0xb: {  	s14 =	simm.s32 $0x2780;
	s30 =	smin.u32 s28, $0x975;
	s10 =	smin.u32 s8, $0x975  }
0xc: {  	s5 =	sadd.s32 s5, s29;
	s9 =	ssub.s32 s28, s30;
	s12 =	sshll.u32 s10, $0x4  }
.Ltmp0:
0xd: {  	s10 =	ssub.s32 s8, s10;
	s8 =	sshrl.u32 s26, $0x3;
	(pc) =	sbr.rel .LBB2_1-.Ltmp0, $4  }
0xe: {  	s4 =	sadd.s32 s12, s4;
	s12 =	ssub.s32 s13, s24;
	s6 =	sadd.s32 s7, s8  }
0xf: {  	s8 =	sadd.s32 $0xFFFFFFFF, s9;
	s9 =	sshll.u32 s9, $0x9;
	p0 =	sgt.u32 s10, $0x4E  }
0x10: {  	s10 =	simm.s32 $0x1;
	s13 =	simm.s32 $0x80;
	s4 =	sadd.s32 $0xC040, s4  }
0x11: {  	v0 =	vimm.f32 $1.000000000e+00;
	s7 =	smax.u32 s12, $0x1;
	s9 =	sshra.s32 s9, $0x2;
	s12 =	sshrl.u32 s25, $0x3  }
.LBB2_4:
0x12: {  	[sflag:s10] =	ssyncadd.s32 $0xFFFFFF80  }
.LBB2_5:
0x13: {  	s15 =	sadd.s32 $0x1, s15  }
0x14: {  	p1 =	sne.s32 s15, s7  }
.Ltmp1:
0x15: {  	[bflag:$0x0] =	sbarrier.arrive $0xFFFF;
	(pc) =	sbr.rel @!p1 .LBB2_6-.Ltmp1, $4  }
0x16: {  	[hbm:s6], [sflag:s11] =	dma.local [spmem:s12], $0x50  }
0x17: {  	_ =	swait.ge [sflag:s10], $0x50  }
0x18: {  	[sflag:s10] =	ssyncset.done $0x0  }
0x19: {  	[sflag:s10] =	ssyncadd.s32 $0xFFFFFFB0  }
.LBB2_1:
0x1a: {  	[tilespmem:s3], [sflag:$0x1] =	stream.linear.gather [hbm4b:s4+s3], $0x2780, $0x38;
	[tilespmem:$0x2A80] =	vst v63  }
0x1b: {  	_ =	swait.ge [sflag:s10], $0x2780  }
0x1c: {  	[sflag:s10] =	ssyncset.done $0x0  }
0x1d: {  	[sflag:s10] =	ssyncadd.s32 $0xFFFFD880  }
0x1e: {  	[tilespmem:$0x2780] =	vst v0  }
0x1f: {  	[tilespmem:$0x2790] =	vst v0  }
0x20: {  	[tilespmem:$0x27A0] =	vst v0  }
0x21: {  	[tilespmem:$0x27B0] =	vst v0  }
0x22: {  	[tilespmem:$0x27C0] =	vst v0  }
0x23: {  	[tilespmem:$0x27D0] =	vst v0  }
0x24: {  	[tilespmem:$0x27E0] =	vst v0  }
0x25: {  	[tilespmem:$0x27F0] =	vst v0  }
0x26: {  	[spmem:s12], [sflag:s11] =	dma.local [hbm:s5], $0x50  }
.Ltmp2:
0x27: {  	_ =	swait.ge [sflag:s10], $0x50;
	(pc) =	sbr.rel @p0 .LBB2_5-.Ltmp2, $3  }
0x28: {  	[sflag:s10] =	ssyncset.done $0x0  }
0x29: {  	[sflag:s10] =	ssyncadd.s32 $0xFFFFFFB0  }
0x2a: {  	[bflag:$0x0] =	sbarrier.arrive $0xFFFF;
	_ =	sdelay $0x1  }
0x2b: {  	s16 =	sadd.s32 $0x1, s8  }
0x2c: {  	p1 =	slt.u32 s16, $0x4E  }
.Ltmp3:
0x2d: {  	_ = 	snop;
	(pc) =	sbr.rel @!p1 .LBB2_4-.Ltmp3, $4  }
0x2e: {  	_ = 	snop  }
0x2f: {  	[spmem:s2] =	stream.indirect.scatter.add.f32 [tilespmem:s14], [sflag:$0x1], $0x1, s9, s13, $0xb8;
	[tilespmem:$0x2A80] =	vst v63  }
0x30: {  	_ =	swait.ge [sflag:s10], $0x80  }
0x31: {  	s17 =	smov.u32 s9;
	[sflag:s10] =	ssyncset.done $0x0  }
.LBB2_3:
0x32: {  	s16 =	sadd.s32 $0x1, s16  }
0x33: {  	[sflag:s10] =	ssyncadd.s32 $0xFFFFFF80;
	s17 =	sadd.s32 $0x80, s17;
	p1 =	slt.u32 s16, $0x4E  }
.Ltmp4:
0x34: {  	(pc) =	sbr.rel @p1 .LBB2_3-.Ltmp4, $4  }
0x35: {  	_ = 	snop  }
0x36: {  	[spmem:s2] =	stream.indirect.scatter.add.f32 [tilespmem:s14], [sflag:$0x1], $0x1, s17, s13, $0xb8;
	[tilespmem:$0x2A80] =	vst v63  }
0x37: {  	_ =	swait.ge [sflag:s10], $0x80  }
0x38: {  	[sflag:s10] =	ssyncset.done $0x0  }
.Ltmp5:
0x39: {  	_ = 	snop;
	(pc) =	sbr.rel .LBB2_4-.Ltmp5, $1  }
0x3a: {  	_ =	sdelay $0x3  }
.LBB2_6:
0x3b: {  	_ =	sfence.sel $0x180000  }
0x3c: {  	[bflag:$0x0] =	sbarrier.arrive $0xFFFF  }
0x3d: {  	p0 =	sne.s32 s0, $0x0;
	_ =	strace $0x90000047  }
0x3e: {  	s0 =	sadd.s32 @!p0 $0x100000, s1;
	[bflag:$0x2] =	sbarrier.arrive $0xFFFF  }
0x3f: {  	[sflag:s0] =	ssyncadd.tile.s32 @!p0 $0x1;
	_ =	shalt  }
.Lfunc_end2:
_tile_overlayer_lowered:
.L_overlay_start_2:
0x40: {  	(tag) =	ssettag $0x2  }
0x41: {  	s0 =	rddreg [dreg:$0x0];
	s2 =	stileid.u32  }
0x42: {  	s1 =	rddreg [dreg:$0x1];
	p0 =	sne.s32 s2, $0x0  }
0x43: {  	s3 =	rddreg [dreg:$0x2];
	[bflag:$0x3] =	sbarrier.arrive $0xFFFF;
	s2 =	simm.s32 @!p0 $0x1C01  }
0x44: {  	[timem:s3], [sflag:s2] =	dma.local @!p0 [hbm:s0], s1  }
0x45: {  	s0 =	simm.s32 @!p0 $0x1  }
0x46: {  	_ =	swait.ge @!p0 [sflag:s0], s1  }
0x47: {  	s1 =	ssub.s32 @!p0 $0x0, s1;
	[sflag:s0] =	ssyncset.done @!p0 $0x0  }
0x48: {  	[sflag:s0] =	ssyncadd.s32 @!p0 s1  }
0x49: {  	[bflag:$0x3] =	sbarrier.arrive $0xFFFF  }
0x4a: {  	_ =	shalt  }

</sc_bundles>
